<compile_context>
chip_gen: v7x
topology: tpu7x:2x2x1
jax: 0.10.2.dev20260603
libtpu: 0.0.44.dev20260713+nightly
codegen_flags: <defaults>
</compile_context>

<pallas_src>
import functools

import jax
import jax.numpy as jnp
from jax import lax
from jax.experimental import pallas as pl
from jax.experimental.pallas import tpu as pltpu
from jax.experimental.pallas import tpu_sc as plsc

N_E = 8192
DIM = 256
BETA = 0.25
T = 8192

BM = 1024
BN = 1024
KT = N_E // BN
TT = T // BM

_NC = 2
_NS = 16
_NW = _NC * _NS
_CH = 128


CW = 1024
NCH = N_E // CW
NG = CW // 128


def _dist_argmin_body(zf_ref, zf2_ref, embT_ref, emb2_ref, idx_ref):
    zf = zf_ref[...]
    zf2 = zf2_ref[...]
    lane = lax.broadcasted_iota(jnp.int32, (BM, 128), 1)
    acc_v = None
    acc_g = None
    for c in range(NCH):
        dotc = lax.dot_general(zf, embT_ref[:, pl.ds(c * CW, CW)],
                               (((1,), (0,)), ((), ())),
                               preferred_element_type=jnp.float32)
        for g in range(NG):
            gid = c * NG + g
            x = ((zf2 - dotc[:, g * 128:(g + 1) * 128])
                 + emb2_ref[:, pl.ds(gid * 128, 128)])
            dist = x * lax.rsqrt(x)
            if gid == 0:
                acc_v = dist
                acc_g = jnp.zeros((BM, 128), jnp.int32)
            else:
                t = dist < acc_v
                acc_v = jnp.where(t, dist, acc_v)
                acc_g = jnp.where(t, jnp.full((BM, 128), gid, jnp.int32),
                                  acc_g)
    m = jnp.min(acc_v, axis=1, keepdims=True)
    gcol = acc_g * 128 + lane
    cand = jnp.where(acc_v == m, gcol, jnp.int32(1 << 30))
    idx_ref[...] = jnp.min(cand, axis=1, keepdims=True)


def _dist_argmin(zf, zf2, embT, emb2):
    return pl.pallas_call(
        _dist_argmin_body,
        grid=(TT,),
        in_specs=[
            pl.BlockSpec((BM, DIM), lambda t: (t, 0)),
            pl.BlockSpec((BM, 1), lambda t: (t, 0)),
            pl.BlockSpec((DIM, N_E), lambda t: (0, 0)),
            pl.BlockSpec((1, N_E), lambda t: (0, 0)),
        ],
        out_specs=pl.BlockSpec((BM, 1), lambda t: (t, 0)),
        out_shape=jax.ShapeDtypeStruct((T, 1), jnp.int32),
    )(zf, zf2, embT, emb2)


def _gather_sc(emb, idx):
    b_per_w = T // _NW
    n_ch = b_per_w // _CH
    mesh = plsc.VectorSubcoreMesh(core_axis_name="c", subcore_axis_name="s")

    @functools.partial(
        pl.kernel,
        out_type=jax.ShapeDtypeStruct((T, DIM), jnp.float32),
        mesh=mesh,
        scratch_types=[
            pltpu.VMEM((_CH,), jnp.int32),
            pltpu.VMEM((_CH, DIM), jnp.float32),
            pltpu.SemaphoreType.DMA,
        ],
    )
    def k(emb_hbm, idx_hbm, out_hbm, idx_v, rows_v, sem):
        wid = lax.axis_index("s") * _NC + lax.axis_index("c")
        base = wid * b_per_w
        for c in range(n_ch):
            off = base + c * _CH
            pltpu.sync_copy(idx_hbm.at[pl.ds(off, _CH)], idx_v)
            pltpu.async_copy(emb_hbm.at[idx_v], rows_v, sem).wait()
            pltpu.sync_copy(rows_v, out_hbm.at[pl.ds(off, _CH)])

    return k(emb, idx)


def _st_loss_body(zf_ref, zq_ref, st_ref, loss_ref, acc_ref):
    t = pl.program_id(0)
    zf = zf_ref[...]
    d = zq_ref[...] - zf
    st_ref[...] = zf + d
    s = jnp.sum(d * d)

    @pl.when(t == 0)
    def _():
        acc_ref[0, 0] = 0.0

    acc_ref[0, 0] = acc_ref[0, 0] + s

    @pl.when(t == TT - 1)
    def _():
        m = acc_ref[0, 0] * (1.0 / (T * DIM))
        loss_ref[0, 0] = BETA * m + m


def _st_loss(zf, zq):
    return pl.pallas_call(
        _st_loss_body,
        grid=(TT,),
        in_specs=[
            pl.BlockSpec((BM, DIM), lambda t: (t, 0)),
            pl.BlockSpec((BM, DIM), lambda t: (t, 0)),
        ],
        out_specs=[
            pl.BlockSpec((BM, DIM), lambda t: (t, 0)),
            pl.BlockSpec(memory_space=pltpu.SMEM),
        ],
        out_shape=[
            jax.ShapeDtypeStruct((T, DIM), jnp.float32),
            jax.ShapeDtypeStruct((1, 1), jnp.float32),
        ],
        scratch_shapes=[pltpu.SMEM((1, 1), jnp.float32)],
    )(zf, zq)


def kernel(z, emb):
    zp = jnp.transpose(z, (0, 2, 3, 1))
    zf = zp.reshape(-1, DIM)
    zf2 = jnp.sum(zf * zf, axis=1, keepdims=True)
    emb2 = jnp.sum(emb * emb, axis=1)[None, :]
    embT2 = emb.T * 2.0
    idx2 = _dist_argmin(zf, zf2, embT2, emb2)
    idx = idx2.reshape(T)
    zq = _gather_sc(emb, idx)
    st, loss = _st_loss(zf, zq)
    z_q_out = jnp.transpose(st.reshape(zp.shape), (0, 3, 1, 2))
    return (z_q_out, loss.reshape(()))

# --- scband reference (transcript-rebuilt; emitter-appended) ---
"""Pipeline reference for scband-vector-quantizer-55972013802225 (READ-ONLY COPY).

The authoritative reference and input builder live on the scoring server;
editing this copy changes nothing except your own understanding.
"""

import jax, jax.numpy as jnp
import numpy as np

N_E = 8192
DIM = 256
BETA = 0.25


def setup_inputs(seed: int = 0) -> dict:
    key = jax.random.key(seed)
    k1, k2 = jax.random.split(key)
    z = jax.random.normal(k1, (8, DIM, 32, 32), dtype=jnp.float32)
    emb = jax.random.uniform(k2, (N_E, DIM), dtype=jnp.float32, minval=-1.0 / N_E, maxval=1.0 / N_E)
    return {"z": z, "emb": emb}


def reference(z, emb):
    # z: [B, C, H, W] -> [B, H, W, C]
    zp = jnp.transpose(z, (0, 2, 3, 1))
    zf = zp.reshape(-1, DIM)
    # cdist (euclidean) between z_flattened [T, D] and codebook [K, D]
    d2 = (jnp.sum(zf * zf, axis=1, keepdims=True)
          - 2.0 * (zf @ emb.T)
          + jnp.sum(emb * emb, axis=1)[None, :])
    dist = jnp.sqrt(jnp.maximum(d2, 0.0))
    min_encoding_indices = jnp.argmin(dist, axis=1)
    z_q = jnp.take(emb, min_encoding_indices, axis=0).reshape(zp.shape)
    loss = (BETA * jnp.mean((jax.lax.stop_gradient(z_q) - zp) ** 2)
            + jnp.mean((z_q - jax.lax.stop_gradient(zp)) ** 2))
    z_q_st = zp + jax.lax.stop_gradient(z_q - zp)
    z_q_out = jnp.transpose(z_q_st, (0, 3, 1, 2))
    return (z_q_out, loss)

if __name__ == "__main__":
    import jax
    _d = setup_inputs()
    print(jax.jit(kernel)(*tuple(_d.values())))

</pallas_src>

<mosaic_0001>
#map = affine_map<(d0, d1) -> (0, 0)>
#map1 = affine_map<(d0, d1) -> (0)>
module attributes {stable_mosaic.version = 14 : i64} {
  func.func @k(%arg0: i32, %arg1: i32, %arg2: memref<8192x256xf32, #tpu.memory_space<hbm>>, %arg3: memref<8192xi32, #tpu.memory_space<hbm>>, %arg4: memref<8192x256xf32, #tpu.memory_space<hbm>>, %arg5: memref<128xi32, #tpu.memory_space<vmem>>, %arg6: memref<128x256xf32, #tpu.memory_space<vmem>>, %arg7: memref<!tpu.dma_semaphore, #tpu.memory_space<semaphore_mem>>) attributes {dimension_semantics = [#tpu.dimension_semantics<core_parallel>, #tpu.dimension_semantics<subcore_parallel>], iteration_bounds = array<i64: 2, 16>, scalar_prefetch = 0 : i64, scratch_operands = 3 : i64, tpu.core_type = #tpu.core_type<sc_vector_subcore>, window_params = [{transform_indices = #map}, {transform_indices = #map1}, {transform_indices = #map}]} {
    %mul3A = arith.constant 2 : i32
    %mul3A_0 = arith.muli %arg1, %mul3A : i32
    %add3A = arith.addi %mul3A_0, %arg0 : i32
    %mul3A_1 = arith.constant 256 : i32
    %mul3A_2 = arith.muli %add3A, %mul3A_1 : i32
    %add3A_3 = arith.constant 0 : i32
    %add3A_4 = arith.addi %mul3A_2, %add3A_3 : i32
    "tpu.region"() ({
      %run_scoped3A = tpu.sem_alloc : memref<!tpu.dma_semaphore, #tpu.memory_space<semaphore_mem>>
      %dma_start3A_17 = tpu.memref_slice %arg3[%add3A_4] : memref<8192xi32, #tpu.memory_space<hbm>> -> memref<128xi32, #tpu.memory_space<hbm>>
      %dma_start3A_18 = tpu.memref_slice %arg3[%add3A_4] : memref<8192xi32, #tpu.memory_space<hbm>> -> memref<128xi32, #tpu.memory_space<hbm>>
      tpu.enqueue_dma source(%dma_start3A_18 : memref<128xi32, #tpu.memory_space<hbm>>) target(%arg5 : memref<128xi32, #tpu.memory_space<vmem>>) target_semaphore(%run_scoped3A : memref<!tpu.dma_semaphore, #tpu.memory_space<semaphore_mem>>)
      %dma_wait3A_19 = tpu.memref_slice %arg3[%add3A_4] : memref<8192xi32, #tpu.memory_space<hbm>> -> memref<128xi32, #tpu.memory_space<hbm>>
      %dma_wait3A_20 = tpu.memref_slice %arg3[%add3A_4] : memref<8192xi32, #tpu.memory_space<hbm>> -> memref<128xi32, #tpu.memory_space<hbm>>
      tpu.wait_dma2 semaphore(%run_scoped3A : memref<!tpu.dma_semaphore, #tpu.memory_space<semaphore_mem>>) src(%dma_wait3A_20 : memref<128xi32, #tpu.memory_space<hbm>>) dst(%arg5 : memref<128xi32, #tpu.memory_space<vmem>>)
      tpu.yield
    }) : () -> ()
    %dma_start3A = arith.constant 0 : i32
    %dma_start3A_5 = arith.constant 0 : i32
    %dma_start3A_6 = tpu.memref_slice %arg2[%dma_start3A, %dma_start3A_5] : memref<8192x256xf32, #tpu.memory_space<hbm>> -> memref<8192x256xf32, #tpu.memory_space<hbm>>
    tpu.enqueue_indirect_dma source(%dma_start3A_6 : memref<8192x256xf32, #tpu.memory_space<hbm>>) target(%arg6 : memref<128x256xf32, #tpu.memory_space<vmem>>) offsets(%arg5 : memref<128xi32, #tpu.memory_space<vmem>>) semaphore(%arg7 : memref<!tpu.dma_semaphore, #tpu.memory_space<semaphore_mem>>)
    %dma_wait3A = arith.constant 0 : i32
    %dma_wait3A_7 = arith.constant 0 : i32
    %dma_wait3A_8 = tpu.memref_slice %arg2[%dma_wait3A, %dma_wait3A_7] : memref<8192x256xf32, #tpu.memory_space<hbm>> -> memref<8192x256xf32, #tpu.memory_space<hbm>>
    tpu.wait_indirect_dma semaphore(%arg7 : memref<!tpu.dma_semaphore, #tpu.memory_space<semaphore_mem>>) src(%dma_wait3A_8 : memref<8192x256xf32, #tpu.memory_space<hbm>>) dst(%arg6 : memref<128x256xf32, #tpu.memory_space<vmem>>)
    "tpu.region"() ({
      %run_scoped3A = tpu.sem_alloc : memref<!tpu.dma_semaphore, #tpu.memory_space<semaphore_mem>>
      %dma_start3A_17 = arith.constant 0 : i32
      %dma_start3A_18 = tpu.memref_slice %arg4[%add3A_4, %dma_start3A_17] : memref<8192x256xf32, #tpu.memory_space<hbm>> -> memref<128x256xf32, #tpu.memory_space<hbm>>
      %dma_start3A_19 = arith.constant 0 : i32
      %dma_start3A_20 = tpu.memref_slice %arg4[%add3A_4, %dma_start3A_19] : memref<8192x256xf32, #tpu.memory_space<hbm>> -> memref<128x256xf32, #tpu.memory_space<hbm>>
      tpu.enqueue_dma source(%arg6 : memref<128x256xf32, #tpu.memory_space<vmem>>) target(%dma_start3A_20 : memref<128x256xf32, #tpu.memory_space<hbm>>) target_semaphore(%run_scoped3A : memref<!tpu.dma_semaphore, #tpu.memory_space<semaphore_mem>>)
      %dma_wait3A_21 = arith.constant 0 : i32
      %dma_wait3A_22 = tpu.memref_slice %arg4[%add3A_4, %dma_wait3A_21] : memref<8192x256xf32, #tpu.memory_space<hbm>> -> memref<128x256xf32, #tpu.memory_space<hbm>>
      %dma_wait3A_23 = arith.constant 0 : i32
      %dma_wait3A_24 = tpu.memref_slice %arg4[%add3A_4, %dma_wait3A_23] : memref<8192x256xf32, #tpu.memory_space<hbm>> -> memref<128x256xf32, #tpu.memory_space<hbm>>
      tpu.wait_dma2 semaphore(%run_scoped3A : memref<!tpu.dma_semaphore, #tpu.memory_space<semaphore_mem>>) src(%arg6 : memref<128x256xf32, #tpu.memory_space<vmem>>) dst(%dma_wait3A_24 : memref<128x256xf32, #tpu.memory_space<hbm>>)
      tpu.yield
    }) : () -> ()
    %add3A_9 = arith.constant 128 : i32
    %add3A_10 = arith.addi %mul3A_2, %add3A_9 : i32
    "tpu.region"() ({
      %run_scoped3A = tpu.sem_alloc : memref<!tpu.dma_semaphore, #tpu.memory_space<semaphore_mem>>
      %dma_start3A_17 = tpu.memref_slice %arg3[%add3A_10] : memref<8192xi32, #tpu.memory_space<hbm>> -> memref<128xi32, #tpu.memory_space<hbm>>
      %dma_start3A_18 = tpu.memref_slice %arg3[%add3A_10] : memref<8192xi32, #tpu.memory_space<hbm>> -> memref<128xi32, #tpu.memory_space<hbm>>
      tpu.enqueue_dma source(%dma_start3A_18 : memref<128xi32, #tpu.memory_space<hbm>>) target(%arg5 : memref<128xi32, #tpu.memory_space<vmem>>) target_semaphore(%run_scoped3A : memref<!tpu.dma_semaphore, #tpu.memory_space<semaphore_mem>>)
      %dma_wait3A_19 = tpu.memref_slice %arg3[%add3A_10] : memref<8192xi32, #tpu.memory_space<hbm>> -> memref<128xi32, #tpu.memory_space<hbm>>
      %dma_wait3A_20 = tpu.memref_slice %arg3[%add3A_10] : memref<8192xi32, #tpu.memory_space<hbm>> -> memref<128xi32, #tpu.memory_space<hbm>>
      tpu.wait_dma2 semaphore(%run_scoped3A : memref<!tpu.dma_semaphore, #tpu.memory_space<semaphore_mem>>) src(%dma_wait3A_20 : memref<128xi32, #tpu.memory_space<hbm>>) dst(%arg5 : memref<128xi32, #tpu.memory_space<vmem>>)
      tpu.yield
    }) : () -> ()
    %dma_start3A_11 = arith.constant 0 : i32
    %dma_start3A_12 = arith.constant 0 : i32
    %dma_start3A_13 = tpu.memref_slice %arg2[%dma_start3A_11, %dma_start3A_12] : memref<8192x256xf32, #tpu.memory_space<hbm>> -> memref<8192x256xf32, #tpu.memory_space<hbm>>
    tpu.enqueue_indirect_dma source(%dma_start3A_13 : memref<8192x256xf32, #tpu.memory_space<hbm>>) target(%arg6 : memref<128x256xf32, #tpu.memory_space<vmem>>) offsets(%arg5 : memref<128xi32, #tpu.memory_space<vmem>>) semaphore(%arg7 : memref<!tpu.dma_semaphore, #tpu.memory_space<semaphore_mem>>)
    %dma_wait3A_14 = arith.constant 0 : i32
    %dma_wait3A_15 = arith.constant 0 : i32
    %dma_wait3A_16 = tpu.memref_slice %arg2[%dma_wait3A_14, %dma_wait3A_15] : memref<8192x256xf32, #tpu.memory_space<hbm>> -> memref<8192x256xf32, #tpu.memory_space<hbm>>
    tpu.wait_indirect_dma semaphore(%arg7 : memref<!tpu.dma_semaphore, #tpu.memory_space<semaphore_mem>>) src(%dma_wait3A_16 : memref<8192x256xf32, #tpu.memory_space<hbm>>) dst(%arg6 : memref<128x256xf32, #tpu.memory_space<vmem>>)
    "tpu.region"() ({
      %run_scoped3A = tpu.sem_alloc : memref<!tpu.dma_semaphore, #tpu.memory_space<semaphore_mem>>
      %dma_start3A_17 = arith.constant 0 : i32
      %dma_start3A_18 = tpu.memref_slice %arg4[%add3A_10, %dma_start3A_17] : memref<8192x256xf32, #tpu.memory_space<hbm>> -> memref<128x256xf32, #tpu.memory_space<hbm>>
      %dma_start3A_19 = arith.constant 0 : i32
      %dma_start3A_20 = tpu.memref_slice %arg4[%add3A_10, %dma_start3A_19] : memref<8192x256xf32, #tpu.memory_space<hbm>> -> memref<128x256xf32, #tpu.memory_space<hbm>>
      tpu.enqueue_dma source(%arg6 : memref<128x256xf32, #tpu.memory_space<vmem>>) target(%dma_start3A_20 : memref<128x256xf32, #tpu.memory_space<hbm>>) target_semaphore(%run_scoped3A : memref<!tpu.dma_semaphore, #tpu.memory_space<semaphore_mem>>)
      %dma_wait3A_21 = arith.constant 0 : i32
      %dma_wait3A_22 = tpu.memref_slice %arg4[%add3A_10, %dma_wait3A_21] : memref<8192x256xf32, #tpu.memory_space<hbm>> -> memref<128x256xf32, #tpu.memory_space<hbm>>
      %dma_wait3A_23 = arith.constant 0 : i32
      %dma_wait3A_24 = tpu.memref_slice %arg4[%add3A_10, %dma_wait3A_23] : memref<8192x256xf32, #tpu.memory_space<hbm>> -> memref<128x256xf32, #tpu.memory_space<hbm>>
      tpu.wait_dma2 semaphore(%run_scoped3A : memref<!tpu.dma_semaphore, #tpu.memory_space<semaphore_mem>>) src(%arg6 : memref<128x256xf32, #tpu.memory_space<vmem>>) dst(%dma_wait3A_24 : memref<128x256xf32, #tpu.memory_space<hbm>>)
      tpu.yield
    }) : () -> ()
    return
  }
}

module attributes {stable_mosaic.version = 14 : i64} {
  func.func @_dist_argmin_body(%arg0: i32, %arg1: memref<1024x256xf32, #tpu.memory_space<vmem>>, %arg2: memref<1024x1xf32, #tpu.memory_space<vmem>>, %arg3: memref<256x8192xf32, #tpu.memory_space<vmem>>, %arg4: memref<1x8192xf32, #tpu.memory_space<vmem>>, %arg5: memref<1024x1xi32, #tpu.memory_space<vmem>>) attributes {dimension_semantics = [#tpu.dimension_semantics<arbitrary>], iteration_bounds = array<i64: 8>, scalar_prefetch = 0 : i64, scratch_operands = 0 : i64, tpu.core_type = #tpu.core_type<tc>, window_params = [{transform_indices = @transform_0, window_bounds = array<i64: 1024, 256>}, {transform_indices = @transform_1, window_bounds = array<i64: 1024, 1>}, {pipeline_mode = #tpu.pipeline_mode<synchronous>, transform_indices = @transform_2, window_bounds = array<i64: 256, 8192>}, {pipeline_mode = #tpu.pipeline_mode<synchronous>, transform_indices = @transform_3, window_bounds = array<i64: 1, 8192>}, {transform_indices = @transform_4, window_bounds = array<i64: 1024, 1>}]} {
    %get3A = arith.constant 0 : index
    %get3A_0 = arith.constant 0 : index
    %get3A_1 = vector.load %arg1[%get3A, %get3A_0] : memref<1024x256xf32, #tpu.memory_space<vmem>>, vector<1024x256xf32>
    %get3A_2 = arith.constant 0 : index
    %get3A_3 = arith.constant 0 : index
    %get3A_4 = vector.load %arg2[%get3A_2, %get3A_3] : memref<1024x1xf32, #tpu.memory_space<vmem>>, vector<1024x1xf32>
    %iota3A = tpu.iota {dimensions = array<i32: 1>} : vector<1024x128xi32>
    %get3A_5 = arith.constant 0 : index
    %get3A_6 = arith.constant 0 : index
    %get3A_7 = vector.load %arg3[%get3A_5, %get3A_6] : memref<256x8192xf32, #tpu.memory_space<vmem>>, vector<256x1024xf32>
    %dot_general3A = arith.constant dense<0.000000e+00> : vector<1024x1024xf32>
    %dot_general3A_8 = tpu.matmul %get3A_1, %get3A_7, %dot_general3A {dimension_numbers = #tpu.dot_dimension_numbers<[1], [0], [0], [1], [0, 0, 1, 1], [], []>, transpose_lhs_hint = false} : vector<1024x256xf32>, vector<256x1024xf32>, vector<1024x1024xf32> -> vector<1024x1024xf32>
    %slice3A = vector.extract_strided_slice %dot_general3A_8 {offsets = [0, 0], sizes = [1024, 128], strides = [1, 1]} : vector<1024x1024xf32> to vector<1024x128xf32>
    %sub3A = vector.broadcast %get3A_4 : vector<1024x1xf32> to vector<1024x128xf32>
    %sub3A_9 = arith.subf %sub3A, %slice3A : vector<1024x128xf32>
    %get3A_10 = arith.constant 0 : index
    %get3A_11 = arith.constant 0 : index
    %get3A_12 = vector.load %arg4[%get3A_10, %get3A_11] : memref<1x8192xf32, #tpu.memory_space<vmem>>, vector<1x128xf32>
    %add3A = vector.broadcast %get3A_12 : vector<1x128xf32> to vector<1024x128xf32>
    %add3A_13 = arith.addf %sub3A_9, %add3A : vector<1024x128xf32>
    %rsqrt3A = math.rsqrt %add3A_13 : vector<1024x128xf32>
    %mul3A = arith.mulf %add3A_13, %rsqrt3A : vector<1024x128xf32>
    %broadcast_in_dim3A = arith.constant 0 : i32
    %broadcast_in_dim3A_14 = vector.broadcast %broadcast_in_dim3A : i32 to vector<1024x128xi32>
    %slice3A_15 = vector.extract_strided_slice %dot_general3A_8 {offsets = [0, 128], sizes = [1024, 128], strides = [1, 1]} : vector<1024x1024xf32> to vector<1024x128xf32>
    %sub3A_16 = vector.broadcast %get3A_4 : vector<1024x1xf32> to vector<1024x128xf32>
    %sub3A_17 = arith.subf %sub3A_16, %slice3A_15 : vector<1024x128xf32>
    %get3A_18 = arith.constant 0 : index
    %get3A_19 = arith.constant 128 : index
    %get3A_20 = vector.load %arg4[%get3A_18, %get3A_19] : memref<1x8192xf32, #tpu.memory_space<vmem>>, vector<1x128xf32>
    %add3A_21 = vector.broadcast %get3A_20 : vector<1x128xf32> to vector<1024x128xf32>
    %add3A_22 = arith.addf %sub3A_17, %add3A_21 : vector<1024x128xf32>
    %rsqrt3A_23 = math.rsqrt %add3A_22 : vector<1024x128xf32>
    %mul3A_24 = arith.mulf %add3A_22, %rsqrt3A_23 : vector<1024x128xf32>
    %lt3A = arith.cmpf olt, %mul3A_24, %mul3A : vector<1024x128xf32>
    %select_n3A = arith.select %lt3A, %mul3A_24, %mul3A : vector<1024x128xi1>, vector<1024x128xf32>
    %broadcast_in_dim3A_25 = arith.constant 1 : i32
    %broadcast_in_dim3A_26 = vector.broadcast %broadcast_in_dim3A_25 : i32 to vector<1024x128xi32>
    %select_n3A_27 = arith.select %lt3A, %broadcast_in_dim3A_26, %broadcast_in_dim3A_14 : vector<1024x128xi1>, vector<1024x128xi32>
    %slice3A_28 = vector.extract_strided_slice %dot_general3A_8 {offsets = [0, 256], sizes = [1024, 128], strides = [1, 1]} : vector<1024x1024xf32> to vector<1024x128xf32>
    %sub3A_29 = vector.broadcast %get3A_4 : vector<1024x1xf32> to vector<1024x128xf32>
    %sub3A_30 = arith.subf %sub3A_29, %slice3A_28 : vector<1024x128xf32>
    %get3A_31 = arith.constant 0 : index
    %get3A_32 = arith.constant 256 : index
    %get3A_33 = vector.load %arg4[%get3A_31, %get3A_32] : memref<1x8192xf32, #tpu.memory_space<vmem>>, vector<1x128xf32>
    %add3A_34 = vector.broadcast %get3A_33 : vector<1x128xf32> to vector<1024x128xf32>
    %add3A_35 = arith.addf %sub3A_30, %add3A_34 : vector<1024x128xf32>
    %rsqrt3A_36 = math.rsqrt %add3A_35 : vector<1024x128xf32>
    %mul3A_37 = arith.mulf %add3A_35, %rsqrt3A_36 : vector<1024x128xf32>
    %lt3A_38 = arith.cmpf olt, %mul3A_37, %select_n3A : vector<1024x128xf32>
    %select_n3A_39 = arith.select %lt3A_38, %mul3A_37, %select_n3A : vector<1024x128xi1>, vector<1024x128xf32>
    %broadcast_in_dim3A_40 = arith.constant 2 : i32
    %broadcast_in_dim3A_41 = vector.broadcast %broadcast_in_dim3A_40 : i32 to vector<1024x128xi32>
    %select_n3A_42 = arith.select %lt3A_38, %broadcast_in_dim3A_41, %select_n3A_27 : vector<1024x128xi1>, vector<1024x128xi32>
    %slice3A_43 = vector.extract_strided_slice %dot_general3A_8 {offsets = [0, 384], sizes = [1024, 128], strides = [1, 1]} : vector<1024x1024xf32> to vector<1024x128xf32>
    %sub3A_44 = vector.broadcast %get3A_4 : vector<1024x1xf32> to vector<1024x128xf32>
    %sub3A_45 = arith.subf %sub3A_44, %slice3A_43 : vector<1024x128xf32>
    %get3A_46 = arith.constant 0 : index
    %get3A_47 = arith.constant 384 : index
    %get3A_48 = vector.load %arg4[%get3A_46, %get3A_47] : memref<1x8192xf32, #tpu.memory_space<vmem>>, vector<1x128xf32>
    %add3A_49 = vector.broadcast %get3A_48 : vector<1x128xf32> to vector<1024x128xf32>
    %add3A_50 = arith.addf %sub3A_45, %add3A_49 : vector<1024x128xf32>
    %rsqrt3A_51 = math.rsqrt %add3A_50 : vector<1024x128xf32>
    %mul3A_52 = arith.mulf %add3A_50, %rsqrt3A_51 : vector<1024x128xf32>
    %lt3A_53 = arith.cmpf olt, %mul3A_52, %select_n3A_39 : vector<1024x128xf32>
    %select_n3A_54 = arith.select %lt3A_53, %mul3A_52, %select_n3A_39 : vector<1024x128xi1>, vector<1024x128xf32>
    %broadcast_in_dim3A_55 = arith.constant 3 : i32
    %broadcast_in_dim3A_56 = vector.broadcast %broadcast_in_dim3A_55 : i32 to vector<1024x128xi32>
    %select_n3A_57 = arith.select %lt3A_53, %broadcast_in_dim3A_56, %select_n3A_42 : vector<1024x128xi1>, vector<1024x128xi32>
    %slice3A_58 = vector.extract_strided_slice %dot_general3A_8 {offsets = [0, 512], sizes = [1024, 128], strides = [1, 1]} : vector<1024x1024xf32> to vector<1024x128xf32>
    %sub3A_59 = vector.broadcast %get3A_4 : vector<1024x1xf32> to vector<1024x128xf32>
    %sub3A_60 = arith.subf %sub3A_59, %slice3A_58 : vector<1024x128xf32>
    %get3A_61 = arith.constant 0 : index
    %get3A_62 = arith.constant 512 : index
    %get3A_63 = vector.load %arg4[%get3A_61, %get3A_62] : memref<1x8192xf32, #tpu.memory_space<vmem>>, vector<1x128xf32>
    %add3A_64 = vector.broadcast %get3A_63 : vector<1x128xf32> to vector<1024x128xf32>
    %add3A_65 = arith.addf %sub3A_60, %add3A_64 : vector<1024x128xf32>
    %rsqrt3A_66 = math.rsqrt %add3A_65 : vector<1024x128xf32>
    %mul3A_67 = arith.mulf %add3A_65, %rsqrt3A_66 : vector<1024x128xf32>
    %lt3A_68 = arith.cmpf olt, %mul3A_67, %select_n3A_54 : vector<1024x128xf32>
    %select_n3A_69 = arith.select %lt3A_68, %mul3A_67, %select_n3A_54 : vector<1024x128xi1>, vector<1024x128xf32>
    %broadcast_in_dim3A_70 = arith.constant 4 : i32
    %broadcast_in_dim3A_71 = vector.broadcast %broadcast_in_dim3A_70 : i32 to vector<1024x128xi32>
    %select_n3A_72 = arith.select %lt3A_68, %broadcast_in_dim3A_71, %select_n3A_57 : vector<1024x128xi1>, vector<1024x128xi32>
    %slice3A_73 = vector.extract_strided_slice %dot_general3A_8 {offsets = [0, 640], sizes = [1024, 128], strides = [1, 1]} : vector<1024x1024xf32> to vector<1024x128xf32>
    %sub3A_74 = vector.broadcast %get3A_4 : vector<1024x1xf32> to vector<1024x128xf32>
    %sub3A_75 = arith.subf %sub3A_74, %slice3A_73 : vector<1024x128xf32>
    %get3A_76 = arith.constant 0 : index
    %get3A_77 = arith.constant 640 : index
    %get3A_78 = vector.load %arg4[%get3A_76, %get3A_77] : memref<1x8192xf32, #tpu.memory_space<vmem>>, vector<1x128xf32>
    %add3A_79 = vector.broadcast %get3A_78 : vector<1x128xf32> to vector<1024x128xf32>
    %add3A_80 = arith.addf %sub3A_75, %add3A_79 : vector<1024x128xf32>
    %rsqrt3A_81 = math.rsqrt %add3A_80 : vector<1024x128xf32>
    %mul3A_82 = arith.mulf %add3A_80, %rsqrt3A_81 : vector<1024x128xf32>
    %lt3A_83 = arith.cmpf olt, %mul3A_82, %select_n3A_69 : vector<1024x128xf32>
    %select_n3A_84 = arith.select %lt3A_83, %mul3A_82, %select_n3A_69 : vector<1024x128xi1>, vector<1024x128xf32>
    %broadcast_in_dim3A_85 = arith.constant 5 : i32
    %broadcast_in_dim3A_86 = vector.broadcast %broadcast_in_dim3A_85 : i32 to vector<1024x128xi32>
    %select_n3A_87 = arith.select %lt3A_83, %broadcast_in_dim3A_86, %select_n3A_72 : vector<1024x128xi1>, vector<1024x128xi32>
    %slice3A_88 = vector.extract_strided_slice %dot_general3A_8 {offsets = [0, 768], sizes = [1024, 128], strides = [1, 1]} : vector<1024x1024xf32> to vector<1024x128xf32>
    %sub3A_89 = vector.broadcast %get3A_4 : vector<1024x1xf32> to vector<1024x128xf32>
    %sub3A_90 = arith.subf %sub3A_89, %slice3A_88 : vector<1024x128xf32>
    %get3A_91 = arith.constant 0 : index
    %get3A_92 = arith.constant 768 : index
    %get3A_93 = vector.load %arg4[%get3A_91, %get3A_92] : memref<1x8192xf32, #tpu.memory_space<vmem>>, vector<1x128xf32>
    %add3A_94 = vector.broadcast %get3A_93 : vector<1x128xf32> to vector<1024x128xf32>
    %add3A_95 = arith.addf %sub3A_90, %add3A_94 : vector<1024x128xf32>
    %rsqrt3A_96 = math.rsqrt %add3A_95 : vector<1024x128xf32>
    %mul3A_97 = arith.mulf %add3A_95, %rsqrt3A_96 : vector<1024x128xf32>
    %lt3A_98 = arith.cmpf olt, %mul3A_97, %select_n3A_84 : vector<1024x128xf32>
    %select_n3A_99 = arith.select %lt3A_98, %mul3A_97, %select_n3A_84 : vector<1024x128xi1>, vector<1024x128xf32>
    %broadcast_in_dim3A_100 = arith.constant 6 : i32
    %broadcast_in_dim3A_101 = vector.broadcast %broadcast_in_dim3A_100 : i32 to vector<1024x128xi32>
    %select_n3A_102 = arith.select %lt3A_98, %broadcast_in_dim3A_101, %select_n3A_87 : vector<1024x128xi1>, vector<1024x128xi32>
    %slice3A_103 = vector.extract_strided_slice %dot_general3A_8 {offsets = [0, 896], sizes = [1024, 128], strides = [1, 1]} : vector<1024x1024xf32> to vector<1024x128xf32>
    %sub3A_104 = vector.broadcast %get3A_4 : vector<1024x1xf32> to vector<1024x128xf32>
    %sub3A_105 = arith.subf %sub3A_104, %slice3A_103 : vector<1024x128xf32>
    %get3A_106 = arith.constant 0 : index
    %get3A_107 = arith.constant 896 : index
    %get3A_108 = vector.load %arg4[%get3A_106, %get3A_107] : memref<1x8192xf32, #tpu.memory_space<vmem>>, vector<1x128xf32>
    %add3A_109 = vector.broadcast %get3A_108 : vector<1x128xf32> to vector<1024x128xf32>
    %add3A_110 = arith.addf %sub3A_105, %add3A_109 : vector<1024x128xf32>
    %rsqrt3A_111 = math.rsqrt %add3A_110 : vector<1024x128xf32>
    %mul3A_112 = arith.mulf %add3A_110, %rsqrt3A_111 : vector<1024x128xf32>
    %lt3A_113 = arith.cmpf olt, %mul3A_112, %select_n3A_99 : vector<1024x128xf32>
    %select_n3A_114 = arith.select %lt3A_113, %mul3A_112, %select_n3A_99 : vector<1024x128xi1>, vector<1024x128xf32>
    %broadcast_in_dim3A_115 = arith.constant 7 : i32
    %broadcast_in_dim3A_116 = vector.broadcast %broadcast_in_dim3A_115 : i32 to vector<1024x128xi32>
    %select_n3A_117 = arith.select %lt3A_113, %broadcast_in_dim3A_116, %select_n3A_102 : vector<1024x128xi1>, vector<1024x128xi32>
    %get3A_118 = arith.constant 0 : index
    %get3A_119 = arith.constant 1024 : index
    %get3A_120 = vector.load %arg3[%get3A_118, %get3A_119] : memref<256x8192xf32, #tpu.memory_space<vmem>>, vector<256x1024xf32>
    %dot_general3A_121 = arith.constant dense<0.000000e+00> : vector<1024x1024xf32>
    %dot_general3A_122 = tpu.matmul %get3A_1, %get3A_120, %dot_general3A_121 {dimension_numbers = #tpu.dot_dimension_numbers<[1], [0], [0], [1], [0, 0, 1, 1], [], []>, transpose_lhs_hint = false} : vector<1024x256xf32>, vector<256x1024xf32>, vector<1024x1024xf32> -> vector<1024x1024xf32>
    %slice3A_123 = vector.extract_strided_slice %dot_general3A_122 {offsets = [0, 0], sizes = [1024, 128], strides = [1, 1]} : vector<1024x1024xf32> to vector<1024x128xf32>
    %sub3A_124 = vector.broadcast %get3A_4 : vector<1024x1xf32> to vector<1024x128xf32>
    %sub3A_125 = arith.subf %sub3A_124, %slice3A_123 : vector<1024x128xf32>
    %get3A_126 = arith.constant 0 : index
    %get3A_127 = arith.constant 1024 : index
    %get3A_128 = vector.load %arg4[%get3A_126, %get3A_127] : memref<1x8192xf32, #tpu.memory_space<vmem>>, vector<1x128xf32>
    %add3A_129 = vector.broadcast %get3A_128 : vector<1x128xf32> to vector<1024x128xf32>
    %add3A_130 = arith.addf %sub3A_125, %add3A_129 : vector<1024x128xf32>
    %rsqrt3A_131 = math.rsqrt %add3A_130 : vector<1024x128xf32>
    %mul3A_132 = arith.mulf %add3A_130, %rsqrt3A_131 : vector<1024x128xf32>
    %lt3A_133 = arith.cmpf olt, %mul3A_132, %select_n3A_114 : vector<1024x128xf32>
    %select_n3A_134 = arith.select %lt3A_133, %mul3A_132, %select_n3A_114 : vector<1024x128xi1>, vector<1024x128xf32>
    %broadcast_in_dim3A_135 = arith.constant 8 : i32
    %broadcast_in_dim3A_136 = vector.broadcast %broadcast_in_dim3A_135 : i32 to vector<1024x128xi32>
    %select_n3A_137 = arith.select %lt3A_133, %broadcast_in_dim3A_136, %select_n3A_117 : vector<1024x128xi1>, vector<1024x128xi32>
    %slice3A_138 = vector.extract_strided_slice %dot_general3A_122 {offsets = [0, 128], sizes = [1024, 128], strides = [1, 1]} : vector<1024x1024xf32> to vector<1024x128xf32>
    %sub3A_139 = vector.broadcast %get3A_4 : vector<1024x1xf32> to vector<1024x128xf32>
    %sub3A_140 = arith.subf %sub3A_139, %slice3A_138 : vector<1024x128xf32>
    %get3A_141 = arith.constant 0 : index
    %get3A_142 = arith.constant 1152 : index
    %get3A_143 = vector.load %arg4[%get3A_141, %get3A_142] : memref<1x8192xf32, #tpu.memory_space<vmem>>, vector<1x128xf32>
    %add3A_144 = vector.broadcast %get3A_143 : vector<1x128xf32> to vector<1024x128xf32>
    %add3A_145 = arith.addf %sub3A_140, %add3A_144 : vector<1024x128xf32>
    %rsqrt3A_146 = math.rsqrt %add3A_145 : vector<1024x128xf32>
    %mul3A_147 = arith.mulf %add3A_145, %rsqrt3A_146 : vector<1024x128xf32>
    %lt3A_148 = arith.cmpf olt, %mul3A_147, %select_n3A_134 : vector<1024x128xf32>
    %select_n3A_149 = arith.select %lt3A_148, %mul3A_147, %select_n3A_134 : vector<1024x128xi1>, vector<1024x128xf32>
    %broadcast_in_dim3A_150 = arith.constant 9 : i32
    %broadcast_in_dim3A_151 = vector.broadcast %broadcast_in_dim3A_150 : i32 to vector<1024x128xi32>
    %select_n3A_152 = arith.select %lt3A_148, %broadcast_in_dim3A_151, %select_n3A_137 : vector<1024x128xi1>, vector<1024x128xi32>
    %slice3A_153 = vector.extract_strided_slice %dot_general3A_122 {offsets = [0, 256], sizes = [1024, 128], strides = [1, 1]} : vector<1024x1024xf32> to vector<1024x128xf32>
    %sub3A_154 = vector.broadcast %get3A_4 : vector<1024x1xf32> to vector<1024x128xf32>
    %sub3A_155 = arith.subf %sub3A_154, %slice3A_153 : vector<1024x128xf32>
    %get3A_156 = arith.constant 0 : index
    %get3A_157 = arith.constant 1280 : index
    %get3A_158 = vector.load %arg4[%get3A_156, %get3A_157] : memref<1x8192xf32, #tpu.memory_space<vmem>>, vector<1x128xf32>
    %add3A_159 = vector.broadcast %get3A_158 : vector<1x128xf32> to vector<1024x128xf32>
    %add3A_160 = arith.addf %sub3A_155, %add3A_159 : vector<1024x128xf32>
    %rsqrt3A_161 = math.rsqrt %add3A_160 : vector<1024x128xf32>
    %mul3A_162 = arith.mulf %add3A_160, %rsqrt3A_161 : vector<1024x128xf32>
    %lt3A_163 = arith.cmpf olt, %mul3A_162, %select_n3A_149 : vector<1024x128xf32>
    %select_n3A_164 = arith.select %lt3A_163, %mul3A_162, %select_n3A_149 : vector<1024x128xi1>, vector<1024x128xf32>
    %broadcast_in_dim3A_165 = arith.constant 10 : i32
    %broadcast_in_dim3A_166 = vector.broadcast %broadcast_in_dim3A_165 : i32 to vector<1024x128xi32>
    %select_n3A_167 = arith.select %lt3A_163, %broadcast_in_dim3A_166, %select_n3A_152 : vector<1024x128xi1>, vector<1024x128xi32>
    %slice3A_168 = vector.extract_strided_slice %dot_general3A_122 {offsets = [0, 384], sizes = [1024, 128], strides = [1, 1]} : vector<1024x1024xf32> to vector<1024x128xf32>
    %sub3A_169 = vector.broadcast %get3A_4 : vector<1024x1xf32> to vector<1024x128xf32>
    %sub3A_170 = arith.subf %sub3A_169, %slice3A_168 : vector<1024x128xf32>
    %get3A_171 = arith.constant 0 : index
    %get3A_172 = arith.constant 1408 : index
    %get3A_173 = vector.load %arg4[%get3A_171, %get3A_172] : memref<1x8192xf32, #tpu.memory_space<vmem>>, vector<1x128xf32>
    %add3A_174 = vector.broadcast %get3A_173 : vector<1x128xf32> to vector<1024x128xf32>
    %add3A_175 = arith.addf %sub3A_170, %add3A_174 : vector<1024x128xf32>
    %rsqrt3A_176 = math.rsqrt %add3A_175 : vector<1024x128xf32>
    %mul3A_177 = arith.mulf %add3A_175, %rsqrt3A_176 : vector<1024x128xf32>
    %lt3A_178 = arith.cmpf olt, %mul3A_177, %select_n3A_164 : vector<1024x128xf32>
    %select_n3A_179 = arith.select %lt3A_178, %mul3A_177, %select_n3A_164 : vector<1024x128xi1>, vector<1024x128xf32>
    %broadcast_in_dim3A_180 = arith.constant 11 : i32
    %broadcast_in_dim3A_181 = vector.broadcast %broadcast_in_dim3A_180 : i32 to vector<1024x128xi32>
    %select_n3A_182 = arith.select %lt3A_178, %broadcast_in_dim3A_181, %select_n3A_167 : vector<1024x128xi1>, vector<1024x128xi32>
    %slice3A_183 = vector.extract_strided_slice %dot_general3A_122 {offsets = [0, 512], sizes = [1024, 128], strides = [1, 1]} : vector<1024x1024xf32> to vector<1024x128xf32>
    %sub3A_184 = vector.broadcast %get3A_4 : vector<1024x1xf32> to vector<1024x128xf32>
    %sub3A_185 = arith.subf %sub3A_184, %slice3A_183 : vector<1024x128xf32>
    %get3A_186 = arith.constant 0 : index
    %get3A_187 = arith.constant 1536 : index
    %get3A_188 = vector.load %arg4[%get3A_186, %get3A_187] : memref<1x8192xf32, #tpu.memory_space<vmem>>, vector<1x128xf32>
    %add3A_189 = vector.broadcast %get3A_188 : vector<1x128xf32> to vector<1024x128xf32>
    %add3A_190 = arith.addf %sub3A_185, %add3A_189 : vector<1024x128xf32>
    %rsqrt3A_191 = math.rsqrt %add3A_190 : vector<1024x128xf32>
    %mul3A_192 = arith.mulf %add3A_190, %rsqrt3A_191 : vector<1024x128xf32>
    %lt3A_193 = arith.cmpf olt, %mul3A_192, %select_n3A_179 : vector<1024x128xf32>
    %select_n3A_194 = arith.select %lt3A_193, %mul3A_192, %select_n3A_179 : vector<1024x128xi1>, vector<1024x128xf32>
    %broadcast_in_dim3A_195 = arith.constant 12 : i32
    %broadcast_in_dim3A_196 = vector.broadcast %broadcast_in_dim3A_195 : i32 to vector<1024x128xi32>
    %select_n3A_197 = arith.select %lt3A_193, %broadcast_in_dim3A_196, %select_n3A_182 : vector<1024x128xi1>, vector<1024x128xi32>
    %slice3A_198 = vector.extract_strided_slice %dot_general3A_122 {offsets = [0, 640], sizes = [1024, 128], strides = [1, 1]} : vector<1024x1024xf32> to vector<1024x128xf32>
    %sub3A_199 = vector.broadcast %get3A_4 : vector<1024x1xf32> to vector<1024x128xf32>
    %sub3A_200 = arith.subf %sub3A_199, %slice3A_198 : vector<1024x128xf32>
    %get3A_201 = arith.constant 0 : index
    %get3A_202 = arith.constant 1664 : index
    %get3A_203 = vector.load %arg4[%get3A_201, %get3A_202] : memref<1x8192xf32, #tpu.memory_space<vmem>>, vector<1x128xf32>
    %add3A_204 = vector.broadcast %get3A_203 : vector<1x128xf32> to vector<1024x128xf32>
    %add3A_205 = arith.addf %sub3A_200, %add3A_204 : vector<1024x128xf32>
    %rsqrt3A_206 = math.rsqrt %add3A_205 : vector<1024x128xf32>
    %mul3A_207 = arith.mulf %add3A_205, %rsqrt3A_206 : vector<1024x128xf32>
    %lt3A_208 = arith.cmpf olt, %mul3A_207, %select_n3A_194 : vector<1024x128xf32>
    %select_n3A_209 = arith.select %lt3A_208, %mul3A_207, %select_n3A_194 : vector<1024x128xi1>, vector<1024x128xf32>
    %broadcast_in_dim3A_210 = arith.constant 13 : i32
    %broadcast_in_dim3A_211 = vector.broadcast %broadcast_in_dim3A_210 : i32 to vector<1024x128xi32>
    %select_n3A_212 = arith.select %lt3A_208, %broadcast_in_dim3A_211, %select_n3A_197 : vector<1024x128xi1>, vector<1024x128xi32>
    %slice3A_213 = vector.extract_strided_slice %dot_general3A_122 {offsets = [0, 768], sizes = [1024, 128], strides = [1, 1]} : vector<1024x1024xf32> to vector<1024x128xf32>
    %sub3A_214 = vector.broadcast %get3A_4 : vector<1024x1xf32> to vector<1024x128xf32>
    %sub3A_215 = arith.subf %sub3A_214, %slice3A_213 : vector<1024x128xf32>
    %get3A_216 = arith.constant 0 : index
    %get3A_217 = arith.constant 1792 : index
    %get3A_218 = vector.load %arg4[%get3A_216, %get3A_217] : memref<1x8192xf32, #tpu.memory_space<vmem>>, vector<1x128xf32>
    %add3A_219 = vector.broadcast %get3A_218 : vector<1x128xf32> to vector<1024x128xf32>
    %add3A_220 = arith.addf %sub3A_215, %add3A_219 : vector<1024x128xf32>
    %rsqrt3A_221 = math.rsqrt %add3A_220 : vector<1024x128xf32>
    %mul3A_222 = arith.mulf %add3A_220, %rsqrt3A_221 : vector<1024x128xf32>
    %lt3A_223 = arith.cmpf olt, %mul3A_222, %select_n3A_209 : vector<1024x128xf32>
    %select_n3A_224 = arith.select %lt3A_223, %mul3A_222, %select_n3A_209 : vector<1024x128xi1>, vector<1024x128xf32>
    %broadcast_in_dim3A_225 = arith.constant 14 : i32
    %broadcast_in_dim3A_226 = vector.broadcast %broadcast_in_dim3A_225 : i32 to vector<1024x128xi32>
    %select_n3A_227 = arith.select %lt3A_223, %broadcast_in_dim3A_226, %select_n3A_212 : vector<1024x128xi1>, vector<1024x128xi32>
    %slice3A_228 = vector.extract_strided_slice %dot_general3A_122 {offsets = [0, 896], sizes = [1024, 128], strides = [1, 1]} : vector<1024x1024xf32> to vector<1024x128xf32>
    %sub3A_229 = vector.broadcast %get3A_4 : vector<1024x1xf32> to vector<1024x128xf32>
    %sub3A_230 = arith.subf %sub3A_229, %slice3A_228 : vector<1024x128xf32>
    %get3A_231 = arith.constant 0 : index
    %get3A_232 = arith.constant 1920 : index
    %get3A_233 = vector.load %arg4[%get3A_231, %get3A_232] : memref<1x8192xf32, #tpu.memory_space<vmem>>, vector<1x128xf32>
    %add3A_234 = vector.broadcast %get3A_233 : vector<1x128xf32> to vector<1024x128xf32>
    %add3A_235 = arith.addf %sub3A_230, %add3A_234 : vector<1024x128xf32>
    %rsqrt3A_236 = math.rsqrt %add3A_235 : vector<1024x128xf32>
    %mul3A_237 = arith.mulf %add3A_235, %rsqrt3A_236 : vector<1024x128xf32>
    %lt3A_238 = arith.cmpf olt, %mul3A_237, %select_n3A_224 : vector<1024x128xf32>
    %select_n3A_239 = arith.select %lt3A_238, %mul3A_237, %select_n3A_224 : vector<1024x128xi1>, vector<1024x128xf32>
    %broadcast_in_dim3A_240 = arith.constant 15 : i32
    %broadcast_in_dim3A_241 = vector.broadcast %broadcast_in_dim3A_240 : i32 to vector<1024x128xi32>
    %select_n3A_242 = arith.select %lt3A_238, %broadcast_in_dim3A_241, %select_n3A_227 : vector<1024x128xi1>, vector<1024x128xi32>
    %get3A_243 = arith.constant 0 : index
    %get3A_244 = arith.constant 2048 : index
    %get3A_245 = vector.load %arg3[%get3A_243, %get3A_244] : memref<256x8192xf32, #tpu.memory_space<vmem>>, vector<256x1024xf32>
    %dot_general3A_246 = arith.constant dense<0.000000e+00> : vector<1024x1024xf32>
    %dot_general3A_247 = tpu.matmul %get3A_1, %get3A_245, %dot_general3A_246 {dimension_numbers = #tpu.dot_dimension_numbers<[1], [0], [0], [1], [0, 0, 1, 1], [], []>, transpose_lhs_hint = false} : vector<1024x256xf32>, vector<256x1024xf32>, vector<1024x1024xf32> -> vector<1024x1024xf32>
    %slice3A_248 = vector.extract_strided_slice %dot_general3A_247 {offsets = [0, 0], sizes = [1024, 128], strides = [1, 1]} : vector<1024x1024xf32> to vector<1024x128xf32>
    %sub3A_249 = vector.broadcast %get3A_4 : vector<1024x1xf32> to vector<1024x128xf32>
    %sub3A_250 = arith.subf %sub3A_249, %slice3A_248 : vector<1024x128xf32>
    %get3A_251 = arith.constant 0 : index
    %get3A_252 = arith.constant 2048 : index
    %get3A_253 = vector.load %arg4[%get3A_251, %get3A_252] : memref<1x8192xf32, #tpu.memory_space<vmem>>, vector<1x128xf32>
    %add3A_254 = vector.broadcast %get3A_253 : vector<1x128xf32> to vector<1024x128xf32>
    %add3A_255 = arith.addf %sub3A_250, %add3A_254 : vector<1024x128xf32>
    %rsqrt3A_256 = math.rsqrt %add3A_255 : vector<1024x128xf32>
    %mul3A_257 = arith.mulf %add3A_255, %rsqrt3A_256 : vector<1024x128xf32>
    %lt3A_258 = arith.cmpf olt, %mul3A_257, %select_n3A_239 : vector<1024x128xf32>
    %select_n3A_259 = arith.select %lt3A_258, %mul3A_257, %select_n3A_239 : vector<1024x128xi1>, vector<1024x128xf32>
    %broadcast_in_dim3A_260 = arith.constant 16 : i32
    %broadcast_in_dim3A_261 = vector.broadcast %broadcast_in_dim3A_260 : i32 to vector<1024x128xi32>
    %select_n3A_262 = arith.select %lt3A_258, %broadcast_in_dim3A_261, %select_n3A_242 : vector<1024x128xi1>, vector<1024x128xi32>
    %slice3A_263 = vector.extract_strided_slice %dot_general3A_247 {offsets = [0, 128], sizes = [1024, 128], strides = [1, 1]} : vector<1024x1024xf32> to vector<1024x128xf32>
    %sub3A_264 = vector.broadcast %get3A_4 : vector<1024x1xf32> to vector<1024x128xf32>
    %sub3A_265 = arith.subf %sub3A_264, %slice3A_263 : vector<1024x128xf32>
    %get3A_266 = arith.constant 0 : index
    %get3A_267 = arith.constant 2176 : index
    %get3A_268 = vector.load %arg4[%get3A_266, %get3A_267] : memref<1x8192xf32, #tpu.memory_space<vmem>>, vector<1x128xf32>
    %add3A_269 = vector.broadcast %get3A_268 : vector<1x128xf32> to vector<1024x128xf32>
    %add3A_270 = arith.addf %sub3A_265, %add3A_269 : vector<1024x128xf32>
    %rsqrt3A_271 = math.rsqrt %add3A_270 : vector<1024x128xf32>
    %mul3A_272 = arith.mulf %add3A_270, %rsqrt3A_271 : vector<1024x128xf32>
    %lt3A_273 = arith.cmpf olt, %mul3A_272, %select_n3A_259 : vector<1024x128xf32>
    %select_n3A_274 = arith.select %lt3A_273, %mul3A_272, %select_n3A_259 : vector<1024x128xi1>, vector<1024x128xf32>
    %broadcast_in_dim3A_275 = arith.constant 17 : i32
    %broadcast_in_dim3A_276 = vector.broadcast %broadcast_in_dim3A_275 : i32 to vector<1024x128xi32>
    %select_n3A_277 = arith.select %lt3A_273, %broadcast_in_dim3A_276, %select_n3A_262 : vector<1024x128xi1>, vector<1024x128xi32>
    %slice3A_278 = vector.extract_strided_slice %dot_general3A_247 {offsets = [0, 256], sizes = [1024, 128], strides = [1, 1]} : vector<1024x1024xf32> to vector<1024x128xf32>
    %sub3A_279 = vector.broadcast %get3A_4 : vector<1024x1xf32> to vector<1024x128xf32>
    %sub3A_280 = arith.subf %sub3A_279, %slice3A_278 : vector<1024x128xf32>
    %get3A_281 = arith.constant 0 : index
    %get3A_282 = arith.constant 2304 : index
    %get3A_283 = vector.load %arg4[%get3A_281, %get3A_282] : memref<1x8192xf32, #tpu.memory_space<vmem>>, vector<1x128xf32>
    %add3A_284 = vector.broadcast %get3A_283 : vector<1x128xf32> to vector<1024x128xf32>
    %add3A_285 = arith.addf %sub3A_280, %add3A_284 : vector<1024x128xf32>
    %rsqrt3A_286 = math.rsqrt %add3A_285 : vector<1024x128xf32>
    %mul3A_287 = arith.mulf %add3A_285, %rsqrt3A_286 : vector<1024x128xf32>
    %lt3A_288 = arith.cmpf olt, %mul3A_287, %select_n3A_274 : vector<1024x128xf32>
    %select_n3A_289 = arith.select %lt3A_288, %mul3A_287, %select_n3A_274 : vector<1024x128xi1>, vector<1024x128xf32>
    %broadcast_in_dim3A_290 = arith.constant 18 : i32
    %broadcast_in_dim3A_291 = vector.broadcast %broadcast_in_dim3A_290 : i32 to vector<1024x128xi32>
    %select_n3A_292 = arith.select %lt3A_288, %broadcast_in_dim3A_291, %select_n3A_277 : vector<1024x128xi1>, vector<1024x128xi32>
    %slice3A_293 = vector.extract_strided_slice %dot_general3A_247 {offsets = [0, 384], sizes = [1024, 128], strides = [1, 1]} : vector<1024x1024xf32> to vector<1024x128xf32>
    %sub3A_294 = vector.broadcast %get3A_4 : vector<1024x1xf32> to vector<1024x128xf32>
    %sub3A_295 = arith.subf %sub3A_294, %slice3A_293 : vector<1024x128xf32>
    %get3A_296 = arith.constant 0 : index
    %get3A_297 = arith.constant 2432 : index
    %get3A_298 = vector.load %arg4[%get3A_296, %get3A_297] : memref<1x8192xf32, #tpu.memory_space<vmem>>, vector<1x128xf32>
    %add3A_299 = vector.broadcast %get3A_298 : vector<1x128xf32> to vector<1024x128xf32>
    %add3A_300 = arith.addf %sub3A_295, %add3A_299 : vector<1024x128xf32>
    %rsqrt3A_301 = math.rsqrt %add3A_300 : vector<1024x128xf32>
    %mul3A_302 = arith.mulf %add3A_300, %rsqrt3A_301 : vector<1024x128xf32>
    %lt3A_303 = arith.cmpf olt, %mul3A_302, %select_n3A_289 : vector<1024x128xf32>
    %select_n3A_304 = arith.select %lt3A_303, %mul3A_302, %select_n3A_289 : vector<1024x128xi1>, vector<1024x128xf32>
    %broadcast_in_dim3A_305 = arith.constant 19 : i32
    %broadcast_in_dim3A_306 = vector.broadcast %broadcast_in_dim3A_305 : i32 to vector<1024x128xi32>
    %select_n3A_307 = arith.select %lt3A_303, %broadcast_in_dim3A_306, %select_n3A_292 : vector<1024x128xi1>, vector<1024x128xi32>
    %slice3A_308 = vector.extract_strided_slice %dot_general3A_247 {offsets = [0, 512], sizes = [1024, 128], strides = [1, 1]} : vector<1024x1024xf32> to vector<1024x128xf32>
    %sub3A_309 = vector.broadcast %get3A_4 : vector<1024x1xf32> to vector<1024x128xf32>
    %sub3A_310 = arith.subf %sub3A_309, %slice3A_308 : vector<1024x128xf32>
    %get3A_311 = arith.constant 0 : index
    %get3A_312 = arith.constant 2560 : index
    %get3A_313 = vector.load %arg4[%get3A_311, %get3A_312] : memref<1x8192xf32, #tpu.memory_space<vmem>>, vector<1x128xf32>
    %add3A_314 = vector.broadcast %get3A_313 : vector<1x128xf32> to vector<1024x128xf32>
    %add3A_315 = arith.addf %sub3A_310, %add3A_314 : vector<1024x128xf32>
    %rsqrt3A_316 = math.rsqrt %add3A_315 : vector<1024x128xf32>
    %mul3A_317 = arith.mulf %add3A_315, %rsqrt3A_316 : vector<1024x128xf32>
    %lt3A_318 = arith.cmpf olt, %mul3A_317, %select_n3A_304 : vector<1024x128xf32>
    %select_n3A_319 = arith.select %lt3A_318, %mul3A_317, %select_n3A_304 : vector<1024x128xi1>, vector<1024x128xf32>
    %broadcast_in_dim3A_320 = arith.constant 20 : i32
    %broadcast_in_dim3A_321 = vector.broadcast %broadcast_in_dim3A_320 : i32 to vector<1024x128xi32>
    %select_n3A_322 = arith.select %lt3A_318, %broadcast_in_dim3A_321, %select_n3A_307 : vector<1024x128xi1>, vector<1024x128xi32>
    %slice3A_323 = vector.extract_strided_slice %dot_general3A_247 {offsets = [0, 640], sizes = [1024, 128], strides = [1, 1]} : vector<1024x1024xf32> to vector<1024x128xf32>
    %sub3A_324 = vector.broadcast %get3A_4 : vector<1024x1xf32> to vector<1024x128xf32>
    %sub3A_325 = arith.subf %sub3A_324, %slice3A_323 : vector<1024x128xf32>
    %get3A_326 = arith.constant 0 : index
    %get3A_327 = arith.constant 2688 : index
    %get3A_328 = vector.load %arg4[%get3A_326, %get3A_327] : memref<1x8192xf32, #tpu.memory_space<vmem>>, vector<1x128xf32>
    %add3A_329 = vector.broadcast %get3A_328 : vector<1x128xf32> to vector<1024x128xf32>
    %add3A_330 = arith.addf %sub3A_325, %add3A_329 : vector<1024x128xf32>
    %rsqrt3A_331 = math.rsqrt %add3A_330 : vector<1024x128xf32>
    %mul3A_332 = arith.mulf %add3A_330, %rsqrt3A_331 : vector<1024x128xf32>
    %lt3A_333 = arith.cmpf olt, %mul3A_332, %select_n3A_319 : vector<1024x128xf32>
    %select_n3A_334 = arith.select %lt3A_333, %mul3A_332, %select_n3A_319 : vector<1024x128xi1>, vector<1024x128xf32>
    %broadcast_in_dim3A_335 = arith.constant 21 : i32
    %broadcast_in_dim3A_336 = vector.broadcast %broadcast_in_dim3A_335 : i32 to vector<1024x128xi32>
    %select_n3A_337 = arith.select %lt3A_333, %broadcast_in_dim3A_336, %select_n3A_322 : vector<1024x128xi1>, vector<1024x128xi32>
    %slice3A_338 = vector.extract_strided_slice %dot_general3A_247 {offsets = [0, 768], sizes = [1024, 128], strides = [1, 1]} : vector<1024x1024xf32> to vector<1024x128xf32>
    %sub3A_339 = vector.broadcast %get3A_4 : vector<1024x1xf32> to vector<1024x128xf32>
    %sub3A_340 = arith.subf %sub3A_339, %slice3A_338 : vector<1024x128xf32>
    %get3A_341 = arith.constant 0 : index
    %get3A_342 = arith.constant 2816 : index
    %get3A_343 = vector.load %arg4[%get3A_341, %get3A_342] : memref<1x8192xf32, #tpu.memory_space<vmem>>, vector<1x128xf32>
    %add3A_344 = vector.broadcast %get3A_343 : vector<1x128xf32> to vector<1024x128xf32>
    %add3A_345 = arith.addf %sub3A_340, %add3A_344 : vector<1024x128xf32>
    %rsqrt3A_346 = math.rsqrt %add3A_345 : vector<1024x128xf32>
    %mul3A_347 = arith.mulf %add3A_345, %rsqrt3A_346 : vector<1024x128xf32>
    %lt3A_348 = arith.cmpf olt, %mul3A_347, %select_n3A_334 : vector<1024x128xf32>
    %select_n3A_349 = arith.select %lt3A_348, %mul3A_347, %select_n3A_334 : vector<1024x128xi1>, vector<1024x128xf32>
    %broadcast_in_dim3A_350 = arith.constant 22 : i32
    %broadcast_in_dim3A_351 = vector.broadcast %broadcast_in_dim3A_350 : i32 to vector<1024x128xi32>
    %select_n3A_352 = arith.select %lt3A_348, %broadcast_in_dim3A_351, %select_n3A_337 : vector<1024x128xi1>, vector<1024x128xi32>
    %slice3A_353 = vector.extract_strided_slice %dot_general3A_247 {offsets = [0, 896], sizes = [1024, 128], strides = [1, 1]} : vector<1024x1024xf32> to vector<1024x128xf32>
    %sub3A_354 = vector.broadcast %get3A_4 : vector<1024x1xf32> to vector<1024x128xf32>
    %sub3A_355 = arith.subf %sub3A_354, %slice3A_353 : vector<1024x128xf32>
    %get3A_356 = arith.constant 0 : index
    %get3A_357 = arith.constant 2944 : index
    %get3A_358 = vector.load %arg4[%get3A_356, %get3A_357] : memref<1x8192xf32, #tpu.memory_space<vmem>>, vector<1x128xf32>
    %add3A_359 = vector.broadcast %get3A_358 : vector<1x128xf32> to vector<1024x128xf32>
    %add3A_360 = arith.addf %sub3A_355, %add3A_359 : vector<1024x128xf32>
    %rsqrt3A_361 = math.rsqrt %add3A_360 : vector<1024x128xf32>
    %mul3A_362 = arith.mulf %add3A_360, %rsqrt3A_361 : vector<1024x128xf32>
    %lt3A_363 = arith.cmpf olt, %mul3A_362, %select_n3A_349 : vector<1024x128xf32>
    %select_n3A_364 = arith.select %lt3A_363, %mul3A_362, %select_n3A_349 : vector<1024x128xi1>, vector<1024x128xf32>
    %broadcast_in_dim3A_365 = arith.constant 23 : i32
    %broadcast_in_dim3A_366 = vector.broadcast %broadcast_in_dim3A_365 : i32 to vector<1024x128xi32>
    %select_n3A_367 = arith.select %lt3A_363, %broadcast_in_dim3A_366, %select_n3A_352 : vector<1024x128xi1>, vector<1024x128xi32>
    %get3A_368 = arith.constant 0 : index
    %get3A_369 = arith.constant 3072 : index
    %get3A_370 = vector.load %arg3[%get3A_368, %get3A_369] : memref<256x8192xf32, #tpu.memory_space<vmem>>, vector<256x1024xf32>
    %dot_general3A_371 = arith.constant dense<0.000000e+00> : vector<1024x1024xf32>
    %dot_general3A_372 = tpu.matmul %get3A_1, %get3A_370, %dot_general3A_371 {dimension_numbers = #tpu.dot_dimension_numbers<[1], [0], [0], [1], [0, 0, 1, 1], [], []>, transpose_lhs_hint = false} : vector<1024x256xf32>, vector<256x1024xf32>, vector<1024x1024xf32> -> vector<1024x1024xf32>
    %slice3A_373 = vector.extract_strided_slice %dot_general3A_372 {offsets = [0, 0], sizes = [1024, 128], strides = [1, 1]} : vector<1024x1024xf32> to vector<1024x128xf32>
    %sub3A_374 = vector.broadcast %get3A_4 : vector<1024x1xf32> to vector<1024x128xf32>
    %sub3A_375 = arith.subf %sub3A_374, %slice3A_373 : vector<1024x128xf32>
    %get3A_376 = arith.constant 0 : index
    %get3A_377 = arith.constant 3072 : index
    %get3A_378 = vector.load %arg4[%get3A_376, %get3A_377] : memref<1x8192xf32, #tpu.memory_space<vmem>>, vector<1x128xf32>
    %add3A_379 = vector.broadcast %get3A_378 : vector<1x128xf32> to vector<1024x128xf32>
    %add3A_380 = arith.addf %sub3A_375, %add3A_379 : vector<1024x128xf32>
    %rsqrt3A_381 = math.rsqrt %add3A_380 : vector<1024x128xf32>
    %mul3A_382 = arith.mulf %add3A_380, %rsqrt3A_381 : vector<1024x128xf32>
    %lt3A_383 = arith.cmpf olt, %mul3A_382, %select_n3A_364 : vector<1024x128xf32>
    %select_n3A_384 = arith.select %lt3A_383, %mul3A_382, %select_n3A_364 : vector<1024x128xi1>, vector<1024x128xf32>
    %broadcast_in_dim3A_385 = arith.constant 24 : i32
    %broadcast_in_dim3A_386 = vector.broadcast %broadcast_in_dim3A_385 : i32 to vector<1024x128xi32>
    %select_n3A_387 = arith.select %lt3A_383, %broadcast_in_dim3A_386, %select_n3A_367 : vector<1024x128xi1>, vector<1024x128xi32>
    %slice3A_388 = vector.extract_strided_slice %dot_general3A_372 {offsets = [0, 128], sizes = [1024, 128], strides = [1, 1]} : vector<1024x1024xf32> to vector<1024x128xf32>
    %sub3A_389 = vector.broadcast %get3A_4 : vector<1024x1xf32> to vector<1024x128xf32>
    %sub3A_390 = arith.subf %sub3A_389, %slice3A_388 : vector<1024x128xf32>
    %get3A_391 = arith.constant 0 : index
    %get3A_392 = arith.constant 3200 : index
    %get3A_393 = vector.load %arg4[%get3A_391, %get3A_392] : memref<1x8192xf32, #tpu.memory_space<vmem>>, vector<1x128xf32>
    %add3A_394 = vector.broadcast %get3A_393 : vector<1x128xf32> to vector<1024x128xf32>
    %add3A_395 = arith.addf %sub3A_390, %add3A_394 : vector<1024x128xf32>
    %rsqrt3A_396 = math.rsqrt %add3A_395 : vector<1024x128xf32>
    %mul3A_397 = arith.mulf %add3A_395, %rsqrt3A_396 : vector<1024x128xf32>
    %lt3A_398 = arith.cmpf olt, %mul3A_397, %select_n3A_384 : vector<1024x128xf32>
    %select_n3A_399 = arith.select %lt3A_398, %mul3A_397, %select_n3A_384 : vector<1024x128xi1>, vector<1024x128xf32>
    %broadcast_in_dim3A_400 = arith.constant 25 : i32
    %broadcast_in_dim3A_401 = vector.broadcast %broadcast_in_dim3A_400 : i32 to vector<1024x128xi32>
    %select_n3A_402 = arith.select %lt3A_398, %broadcast_in_dim3A_401, %select_n3A_387 : vector<1024x128xi1>, vector<1024x128xi32>
    %slice3A_403 = vector.extract_strided_slice %dot_general3A_372 {offsets = [0, 256], sizes = [1024, 128], strides = [1, 1]} : vector<1024x1024xf32> to vector<1024x128xf32>
    %sub3A_404 = vector.broadcast %get3A_4 : vector<1024x1xf32> to vector<1024x128xf32>
    %sub3A_405 = arith.subf %sub3A_404, %slice3A_403 : vector<1024x128xf32>
    %get3A_406 = arith.constant 0 : index
    %get3A_407 = arith.constant 3328 : index
    %get3A_408 = vector.load %arg4[%get3A_406, %get3A_407] : memref<1x8192xf32, #tpu.memory_space<vmem>>, vector<1x128xf32>
    %add3A_409 = vector.broadcast %get3A_408 : vector<1x128xf32> to vector<1024x128xf32>
    %add3A_410 = arith.addf %sub3A_405, %add3A_409 : vector<1024x128xf32>
    %rsqrt3A_411 = math.rsqrt %add3A_410 : vector<1024x128xf32>
    %mul3A_412 = arith.mulf %add3A_410, %rsqrt3A_411 : vector<1024x128xf32>
    %lt3A_413 = arith.cmpf olt, %mul3A_412, %select_n3A_399 : vector<1024x128xf32>
    %select_n3A_414 = arith.select %lt3A_413, %mul3A_412, %select_n3A_399 : vector<1024x128xi1>, vector<1024x128xf32>
    %broadcast_in_dim3A_415 = arith.constant 26 : i32
    %broadcast_in_dim3A_416 = vector.broadcast %broadcast_in_dim3A_415 : i32 to vector<1024x128xi32>
    %select_n3A_417 = arith.select %lt3A_413, %broadcast_in_dim3A_416, %select_n3A_402 : vector<1024x128xi1>, vector<1024x128xi32>
    %slice3A_418 = vector.extract_strided_slice %dot_general3A_372 {offsets = [0, 384], sizes = [1024, 128], strides = [1, 1]} : vector<1024x1024xf32> to vector<1024x128xf32>
    %sub3A_419 = vector.broadcast %get3A_4 : vector<1024x1xf32> to vector<1024x128xf32>
    %sub3A_420 = arith.subf %sub3A_419, %slice3A_418 : vector<1024x128xf32>
    %get3A_421 = arith.constant 0 : index
    %get3A_422 = arith.constant 3456 : index
    %get3A_423 = vector.load %arg4[%get3A_421, %get3A_422] : memref<1x8192xf32, #tpu.memory_space<vmem>>, vector<1x128xf32>
    %add3A_424 = vector.broadcast %get3A_423 : vector<1x128xf32> to vector<1024x128xf32>
    %add3A_425 = arith.addf %sub3A_420, %add3A_424 : vector<1024x128xf32>
    %rsqrt3A_426 = math.rsqrt %add3A_425 : vector<1024x128xf32>
    %mul3A_427 = arith.mulf %add3A_425, %rsqrt3A_426 : vector<1024x128xf32>
    %lt3A_428 = arith.cmpf olt, %mul3A_427, %select_n3A_414 : vector<1024x128xf32>
    %select_n3A_429 = arith.select %lt3A_428, %mul3A_427, %select_n3A_414 : vector<1024x128xi1>, vector<1024x128xf32>
    %broadcast_in_dim3A_430 = arith.constant 27 : i32
    %broadcast_in_dim3A_431 = vector.broadcast %broadcast_in_dim3A_430 : i32 to vector<1024x128xi32>
    %select_n3A_432 = arith.select %lt3A_428, %broadcast_in_dim3A_431, %select_n3A_417 : vector<1024x128xi1>, vector<1024x128xi32>
    %slice3A_433 = vector.extract_strided_slice %dot_general3A_372 {offsets = [0, 512], sizes = [1024, 128], strides = [1, 1]} : vector<1024x1024xf32> to vector<1024x128xf32>
    %sub3A_434 = vector.broadcast %get3A_4 : vector<1024x1xf32> to vector<1024x128xf32>
    %sub3A_435 = arith.subf %sub3A_434, %slice3A_433 : vector<1024x128xf32>
    %get3A_436 = arith.constant 0 : index
    %get3A_437 = arith.constant 3584 : index
    %get3A_438 = vector.load %arg4[%get3A_436, %get3A_437] : memref<1x8192xf32, #tpu.memory_space<vmem>>, vector<1x128xf32>
    %add3A_439 = vector.broadcast %get3A_438 : vector<1x128xf32> to vector<1024x128xf32>
    %add3A_440 = arith.addf %sub3A_435, %add3A_439 : vector<1024x128xf32>
    %rsqrt3A_441 = math.rsqrt %add3A_440 : vector<1024x128xf32>
    %mul3A_442 = arith.mulf %add3A_440, %rsqrt3A_441 : vector<1024x128xf32>
    %lt3A_443 = arith.cmpf olt, %mul3A_442, %select_n3A_429 : vector<1024x128xf32>
    %select_n3A_444 = arith.select %lt3A_443, %mul3A_442, %select_n3A_429 : vector<1024x128xi1>, vector<1024x128xf32>
    %broadcast_in_dim3A_445 = arith.constant 28 : i32
    %broadcast_in_dim3A_446 = vector.broadcast %broadcast_in_dim3A_445 : i32 to vector<1024x128xi32>
    %select_n3A_447 = arith.select %lt3A_443, %broadcast_in_dim3A_446, %select_n3A_432 : vector<1024x128xi1>, vector<1024x128xi32>
    %slice3A_448 = vector.extract_strided_slice %dot_general3A_372 {offsets = [0, 640], sizes = [1024, 128], strides = [1, 1]} : vector<1024x1024xf32> to vector<1024x128xf32>
    %sub3A_449 = vector.broadcast %get3A_4 : vector<1024x1xf32> to vector<1024x128xf32>
    %sub3A_450 = arith.subf %sub3A_449, %slice3A_448 : vector<1024x128xf32>
    %get3A_451 = arith.constant 0 : index
    %get3A_452 = arith.constant 3712 : index
    %get3A_453 = vector.load %arg4[%get3A_451, %get3A_452] : memref<1x8192xf32, #tpu.memory_space<vmem>>, vector<1x128xf32>
    %add3A_454 = vector.broadcast %get3A_453 : vector<1x128xf32> to vector<1024x128xf32>
    %add3A_455 = arith.addf %sub3A_450, %add3A_454 : vector<1024x128xf32>
    %rsqrt3A_456 = math.rsqrt %add3A_455 : vector<1024x128xf32>
    %mul3A_457 = arith.mulf %add3A_455, %rsqrt3A_456 : vector<1024x128xf32>
    %lt3A_458 = arith.cmpf olt, %mul3A_457, %select_n3A_444 : vector<1024x128xf32>
    %select_n3A_459 = arith.select %lt3A_458, %mul3A_457, %select_n3A_444 : vector<1024x128xi1>, vector<1024x128xf32>
    %broadcast_in_dim3A_460 = arith.constant 29 : i32
    %broadcast_in_dim3A_461 = vector.broadcast %broadcast_in_dim3A_460 : i32 to vector<1024x128xi32>
    %select_n3A_462 = arith.select %lt3A_458, %broadcast_in_dim3A_461, %select_n3A_447 : vector<1024x128xi1>, vector<1024x128xi32>
    %slice3A_463 = vector.extract_strided_slice %dot_general3A_372 {offsets = [0, 768], sizes = [1024, 128], strides = [1, 1]} : vector<1024x1024xf32> to vector<1024x128xf32>
    %sub3A_464 = vector.broadcast %get3A_4 : vector<1024x1xf32> to vector<1024x128xf32>
    %sub3A_465 = arith.subf %sub3A_464, %slice3A_463 : vector<1024x128xf32>
    %get3A_466 = arith.constant 0 : index
    %get3A_467 = arith.constant 3840 : index
    %get3A_468 = vector.load %arg4[%get3A_466, %get3A_467] : memref<1x8192xf32, #tpu.memory_space<vmem>>, vector<1x128xf32>
    %add3A_469 = vector.broadcast %get3A_468 : vector<1x128xf32> to vector<1024x128xf32>
    %add3A_470 = arith.addf %sub3A_465, %add3A_469 : vector<1024x128xf32>
    %rsqrt3A_471 = math.rsqrt %add3A_470 : vector<1024x128xf32>
    %mul3A_472 = arith.mulf %add3A_470, %rsqrt3A_471 : vector<1024x128xf32>
    %lt3A_473 = arith.cmpf olt, %mul3A_472, %select_n3A_459 : vector<1024x128xf32>
    %select_n3A_474 = arith.select %lt3A_473, %mul3A_472, %select_n3A_459 : vector<1024x128xi1>, vector<1024x128xf32>
    %broadcast_in_dim3A_475 = arith.constant 30 : i32
    %broadcast_in_dim3A_476 = vector.broadcast %broadcast_in_dim3A_475 : i32 to vector<1024x128xi32>
    %select_n3A_477 = arith.select %lt3A_473, %broadcast_in_dim3A_476, %select_n3A_462 : vector<1024x128xi1>, vector<1024x128xi32>
    %slice3A_478 = vector.extract_strided_slice %dot_general3A_372 {offsets = [0, 896], sizes = [1024, 128], strides = [1, 1]} : vector<1024x1024xf32> to vector<1024x128xf32>
    %sub3A_479 = vector.broadcast %get3A_4 : vector<1024x1xf32> to vector<1024x128xf32>
    %sub3A_480 = arith.subf %sub3A_479, %slice3A_478 : vector<1024x128xf32>
    %get3A_481 = arith.constant 0 : index
    %get3A_482 = arith.constant 3968 : index
    %get3A_483 = vector.load %arg4[%get3A_481, %get3A_482] : memref<1x8192xf32, #tpu.memory_space<vmem>>, vector<1x128xf32>
    %add3A_484 = vector.broadcast %get3A_483 : vector<1x128xf32> to vector<1024x128xf32>
    %add3A_485 = arith.addf %sub3A_480, %add3A_484 : vector<1024x128xf32>
    %rsqrt3A_486 = math.rsqrt %add3A_485 : vector<1024x128xf32>
    %mul3A_487 = arith.mulf %add3A_485, %rsqrt3A_486 : vector<1024x128xf32>
    %lt3A_488 = arith.cmpf olt, %mul3A_487, %select_n3A_474 : vector<1024x128xf32>
    %select_n3A_489 = arith.select %lt3A_488, %mul3A_487, %select_n3A_474 : vector<1024x128xi1>, vector<1024x128xf32>
    %broadcast_in_dim3A_490 = arith.constant 31 : i32
    %broadcast_in_dim3A_491 = vector.broadcast %broadcast_in_dim3A_490 : i32 to vector<1024x128xi32>
    %select_n3A_492 = arith.select %lt3A_488, %broadcast_in_dim3A_491, %select_n3A_477 : vector<1024x128xi1>, vector<1024x128xi32>
    %get3A_493 = arith.constant 0 : index
    %get3A_494 = arith.constant 4096 : index
    %get3A_495 = vector.load %arg3[%get3A_493, %get3A_494] : memref<256x8192xf32, #tpu.memory_space<vmem>>, vector<256x1024xf32>
    %dot_general3A_496 = arith.constant dense<0.000000e+00> : vector<1024x1024xf32>
    %dot_general3A_497 = tpu.matmul %get3A_1, %get3A_495, %dot_general3A_496 {dimension_numbers = #tpu.dot_dimension_numbers<[1], [0], [0], [1], [0, 0, 1, 1], [], []>, transpose_lhs_hint = false} : vector<1024x256xf32>, vector<256x1024xf32>, vector<1024x1024xf32> -> vector<1024x1024xf32>
    %slice3A_498 = vector.extract_strided_slice %dot_general3A_497 {offsets = [0, 0], sizes = [1024, 128], strides = [1, 1]} : vector<1024x1024xf32> to vector<1024x128xf32>
    %sub3A_499 = vector.broadcast %get3A_4 : vector<1024x1xf32> to vector<1024x128xf32>
    %sub3A_500 = arith.subf %sub3A_499, %slice3A_498 : vector<1024x128xf32>
    %get3A_501 = arith.constant 0 : index
    %get3A_502 = arith.constant 4096 : index
    %get3A_503 = vector.load %arg4[%get3A_501, %get3A_502] : memref<1x8192xf32, #tpu.memory_space<vmem>>, vector<1x128xf32>
    %add3A_504 = vector.broadcast %get3A_503 : vector<1x128xf32> to vector<1024x128xf32>
    %add3A_505 = arith.addf %sub3A_500, %add3A_504 : vector<1024x128xf32>
    %rsqrt3A_506 = math.rsqrt %add3A_505 : vector<1024x128xf32>
    %mul3A_507 = arith.mulf %add3A_505, %rsqrt3A_506 : vector<1024x128xf32>
    %lt3A_508 = arith.cmpf olt, %mul3A_507, %select_n3A_489 : vector<1024x128xf32>
    %select_n3A_509 = arith.select %lt3A_508, %mul3A_507, %select_n3A_489 : vector<1024x128xi1>, vector<1024x128xf32>
    %broadcast_in_dim3A_510 = arith.constant 32 : i32
    %broadcast_in_dim3A_511 = vector.broadcast %broadcast_in_dim3A_510 : i32 to vector<1024x128xi32>
    %select_n3A_512 = arith.select %lt3A_508, %broadcast_in_dim3A_511, %select_n3A_492 : vector<1024x128xi1>, vector<1024x128xi32>
    %slice3A_513 = vector.extract_strided_slice %dot_general3A_497 {offsets = [0, 128], sizes = [1024, 128], strides = [1, 1]} : vector<1024x1024xf32> to vector<1024x128xf32>
    %sub3A_514 = vector.broadcast %get3A_4 : vector<1024x1xf32> to vector<1024x128xf32>
    %sub3A_515 = arith.subf %sub3A_514, %slice3A_513 : vector<1024x128xf32>
    %get3A_516 = arith.constant 0 : index
    %get3A_517 = arith.constant 4224 : index
    %get3A_518 = vector.load %arg4[%get3A_516, %get3A_517] : memref<1x8192xf32, #tpu.memory_space<vmem>>, vector<1x128xf32>
    %add3A_519 = vector.broadcast %get3A_518 : vector<1x128xf32> to vector<1024x128xf32>
    %add3A_520 = arith.addf %sub3A_515, %add3A_519 : vector<1024x128xf32>
    %rsqrt3A_521 = math.rsqrt %add3A_520 : vector<1024x128xf32>
    %mul3A_522 = arith.mulf %add3A_520, %rsqrt3A_521 : vector<1024x128xf32>
    %lt3A_523 = arith.cmpf olt, %mul3A_522, %select_n3A_509 : vector<1024x128xf32>
    %select_n3A_524 = arith.select %lt3A_523, %mul3A_522, %select_n3A_509 : vector<1024x128xi1>, vector<1024x128xf32>
    %broadcast_in_dim3A_525 = arith.constant 33 : i32
    %broadcast_in_dim3A_526 = vector.broadcast %broadcast_in_dim3A_525 : i32 to vector<1024x128xi32>
    %select_n3A_527 = arith.select %lt3A_523, %broadcast_in_dim3A_526, %select_n3A_512 : vector<1024x128xi1>, vector<1024x128xi32>
    %slice3A_528 = vector.extract_strided_slice %dot_general3A_497 {offsets = [0, 256], sizes = [1024, 128], strides = [1, 1]} : vector<1024x1024xf32> to vector<1024x128xf32>
    %sub3A_529 = vector.broadcast %get3A_4 : vector<1024x1xf32> to vector<1024x128xf32>
    %sub3A_530 = arith.subf %sub3A_529, %slice3A_528 : vector<1024x128xf32>
    %get3A_531 = arith.constant 0 : index
    %get3A_532 = arith.constant 4352 : index
    %get3A_533 = vector.load %arg4[%get3A_531, %get3A_532] : memref<1x8192xf32, #tpu.memory_space<vmem>>, vector<1x128xf32>
    %add3A_534 = vector.broadcast %get3A_533 : vector<1x128xf32> to vector<1024x128xf32>
    %add3A_535 = arith.addf %sub3A_530, %add3A_534 : vector<1024x128xf32>
    %rsqrt3A_536 = math.rsqrt %add3A_535 : vector<1024x128xf32>
    %mul3A_537 = arith.mulf %add3A_535, %rsqrt3A_536 : vector<1024x128xf32>
    %lt3A_538 = arith.cmpf olt, %mul3A_537, %select_n3A_524 : vector<1024x128xf32>
    %select_n3A_539 = arith.select %lt3A_538, %mul3A_537, %select_n3A_524 : vector<1024x128xi1>, vector<1024x128xf32>
    %broadcast_in_dim3A_540 = arith.constant 34 : i32
    %broadcast_in_dim3A_541 = vector.broadcast %broadcast_in_dim3A_540 : i32 to vector<1024x128xi32>
    %select_n3A_542 = arith.select %lt3A_538, %broadcast_in_dim3A_541, %select_n3A_527 : vector<1024x128xi1>, vector<1024x128xi32>
    %slice3A_543 = vector.extract_strided_slice %dot_general3A_497 {offsets = [0, 384], sizes = [1024, 128], strides = [1, 1]} : vector<1024x1024xf32> to vector<1024x128xf32>
    %sub3A_544 = vector.broadcast %get3A_4 : vector<1024x1xf32> to vector<1024x128xf32>
    %sub3A_545 = arith.subf %sub3A_544, %slice3A_543 : vector<1024x128xf32>
    %get3A_546 = arith.constant 0 : index
    %get3A_547 = arith.constant 4480 : index
    %get3A_548 = vector.load %arg4[%get3A_546, %get3A_547] : memref<1x8192xf32, #tpu.memory_space<vmem>>, vector<1x128xf32>
    %add3A_549 = vector.broadcast %get3A_548 : vector<1x128xf32> to vector<1024x128xf32>
    %add3A_550 = arith.addf %sub3A_545, %add3A_549 : vector<1024x128xf32>
    %rsqrt3A_551 = math.rsqrt %add3A_550 : vector<1024x128xf32>
    %mul3A_552 = arith.mulf %add3A_550, %rsqrt3A_551 : vector<1024x128xf32>
    %lt3A_553 = arith.cmpf olt, %mul3A_552, %select_n3A_539 : vector<1024x128xf32>
    %select_n3A_554 = arith.select %lt3A_553, %mul3A_552, %select_n3A_539 : vector<1024x128xi1>, vector<1024x128xf32>
    %broadcast_in_dim3A_555 = arith.constant 35 : i32
    %broadcast_in_dim3A_556 = vector.broadcast %broadcast_in_dim3A_555 : i32 to vector<1024x128xi32>
    %select_n3A_557 = arith.select %lt3A_553, %broadcast_in_dim3A_556, %select_n3A_542 : vector<1024x128xi1>, vector<1024x128xi32>
    %slice3A_558 = vector.extract_strided_slice %dot_general3A_497 {offsets = [0, 512], sizes = [1024, 128], strides = [1, 1]} : vector<1024x1024xf32> to vector<1024x128xf32>
    %sub3A_559 = vector.broadcast %get3A_4 : vector<1024x1xf32> to vector<1024x128xf32>
    %sub3A_560 = arith.subf %sub3A_559, %slice3A_558 : vector<1024x128xf32>
    %get3A_561 = arith.constant 0 : index
    %get3A_562 = arith.constant 4608 : index
    %get3A_563 = vector.load %arg4[%get3A_561, %get3A_562] : memref<1x8192xf32, #tpu.memory_space<vmem>>, vector<1x128xf32>
    %add3A_564 = vector.broadcast %get3A_563 : vector<1x128xf32> to vector<1024x128xf32>
    %add3A_565 = arith.addf %sub3A_560, %add3A_564 : vector<1024x128xf32>
    %rsqrt3A_566 = math.rsqrt %add3A_565 : vector<1024x128xf32>
    %mul3A_567 = arith.mulf %add3A_565, %rsqrt3A_566 : vector<1024x128xf32>
    %lt3A_568 = arith.cmpf olt, %mul3A_567, %select_n3A_554 : vector<1024x128xf32>
    %select_n3A_569 = arith.select %lt3A_568, %mul3A_567, %select_n3A_554 : vector<1024x128xi1>, vector<1024x128xf32>
    %broadcast_in_dim3A_570 = arith.constant 36 : i32
    %broadcast_in_dim3A_571 = vector.broadcast %broadcast_in_dim3A_570 : i32 to vector<1024x128xi32>
    %select_n3A_572 = arith.select %lt3A_568, %broadcast_in_dim3A_571, %select_n3A_557 : vector<1024x128xi1>, vector<1024x128xi32>
    %slice3A_573 = vector.extract_strided_slice %dot_general3A_497 {offsets = [0, 640], sizes = [1024, 128], strides = [1, 1]} : vector<1024x1024xf32> to vector<1024x128xf32>
    %sub3A_574 = vector.broadcast %get3A_4 : vector<1024x1xf32> to vector<1024x128xf32>
    %sub3A_575 = arith.subf %sub3A_574, %slice3A_573 : vector<1024x128xf32>
    %get3A_576 = arith.constant 0 : index
    %get3A_577 = arith.constant 4736 : index
    %get3A_578 = vector.load %arg4[%get3A_576, %get3A_577] : memref<1x8192xf32, #tpu.memory_space<vmem>>, vector<1x128xf32>
    %add3A_579 = vector.broadcast %get3A_578 : vector<1x128xf32> to vector<1024x128xf32>
    %add3A_580 = arith.addf %sub3A_575, %add3A_579 : vector<1024x128xf32>
    %rsqrt3A_581 = math.rsqrt %add3A_580 : vector<1024x128xf32>
    %mul3A_582 = arith.mulf %add3A_580, %rsqrt3A_581 : vector<1024x128xf32>
    %lt3A_583 = arith.cmpf olt, %mul3A_582, %select_n3A_569 : vector<1024x128xf32>
    %select_n3A_584 = arith.select %lt3A_583, %mul3A_582, %select_n3A_569 : vector<1024x128xi1>, vector<1024x128xf32>
    %broadcast_in_dim3A_585 = arith.constant 37 : i32
    %broadcast_in_dim3A_586 = vector.broadcast %broadcast_in_dim3A_585 : i32 to vector<1024x128xi32>
    %select_n3A_587 = arith.select %lt3A_583, %broadcast_in_dim3A_586, %select_n3A_572 : vector<1024x128xi1>, vector<1024x128xi32>
    %slice3A_588 = vector.extract_strided_slice %dot_general3A_497 {offsets = [0, 768], sizes = [1024, 128], strides = [1, 1]} : vector<1024x1024xf32> to vector<1024x128xf32>
    %sub3A_589 = vector.broadcast %get3A_4 : vector<1024x1xf32> to vector<1024x128xf32>
    %sub3A_590 = arith.subf %sub3A_589, %slice3A_588 : vector<1024x128xf32>
    %get3A_591 = arith.constant 0 : index
    %get3A_592 = arith.constant 4864 : index
    %get3A_593 = vector.load %arg4[%get3A_591, %get3A_592] : memref<1x8192xf32, #tpu.memory_space<vmem>>, vector<1x128xf32>
    %add3A_594 = vector.broadcast %get3A_593 : vector<1x128xf32> to vector<1024x128xf32>
    %add3A_595 = arith.addf %sub3A_590, %add3A_594 : vector<1024x128xf32>
    %rsqrt3A_596 = math.rsqrt %add3A_595 : vector<1024x128xf32>
    %mul3A_597 = arith.mulf %add3A_595, %rsqrt3A_596 : vector<1024x128xf32>
    %lt3A_598 = arith.cmpf olt, %mul3A_597, %select_n3A_584 : vector<1024x128xf32>
    %select_n3A_599 = arith.select %lt3A_598, %mul3A_597, %select_n3A_584 : vector<1024x128xi1>, vector<1024x128xf32>
    %broadcast_in_dim3A_600 = arith.constant 38 : i32
    %broadcast_in_dim3A_601 = vector.broadcast %broadcast_in_dim3A_600 : i32 to vector<1024x128xi32>
    %select_n3A_602 = arith.select %lt3A_598, %broadcast_in_dim3A_601, %select_n3A_587 : vector<1024x128xi1>, vector<1024x128xi32>
    %slice3A_603 = vector.extract_strided_slice %dot_general3A_497 {offsets = [0, 896], sizes = [1024, 128], strides = [1, 1]} : vector<1024x1024xf32> to vector<1024x128xf32>
    %sub3A_604 = vector.broadcast %get3A_4 : vector<1024x1xf32> to vector<1024x128xf32>
    %sub3A_605 = arith.subf %sub3A_604, %slice3A_603 : vector<1024x128xf32>
    %get3A_606 = arith.constant 0 : index
    %get3A_607 = arith.constant 4992 : index
    %get3A_608 = vector.load %arg4[%get3A_606, %get3A_607] : memref<1x8192xf32, #tpu.memory_space<vmem>>, vector<1x128xf32>
    %add3A_609 = vector.broadcast %get3A_608 : vector<1x128xf32> to vector<1024x128xf32>
    %add3A_610 = arith.addf %sub3A_605, %add3A_609 : vector<1024x128xf32>
    %rsqrt3A_611 = math.rsqrt %add3A_610 : vector<1024x128xf32>
    %mul3A_612 = arith.mulf %add3A_610, %rsqrt3A_611 : vector<1024x128xf32>
    %lt3A_613 = arith.cmpf olt, %mul3A_612, %select_n3A_599 : vector<1024x128xf32>
    %select_n3A_614 = arith.select %lt3A_613, %mul3A_612, %select_n3A_599 : vector<1024x128xi1>, vector<1024x128xf32>
    %broadcast_in_dim3A_615 = arith.constant 39 : i32
    %broadcast_in_dim3A_616 = vector.broadcast %broadcast_in_dim3A_615 : i32 to vector<1024x128xi32>
    %select_n3A_617 = arith.select %lt3A_613, %broadcast_in_dim3A_616, %select_n3A_602 : vector<1024x128xi1>, vector<1024x128xi32>
    %get3A_618 = arith.constant 0 : index
    %get3A_619 = arith.constant 5120 : index
    %get3A_620 = vector.load %arg3[%get3A_618, %get3A_619] : memref<256x8192xf32, #tpu.memory_space<vmem>>, vector<256x1024xf32>
    %dot_general3A_621 = arith.constant dense<0.000000e+00> : vector<1024x1024xf32>
    %dot_general3A_622 = tpu.matmul %get3A_1, %get3A_620, %dot_general3A_621 {dimension_numbers = #tpu.dot_dimension_numbers<[1], [0], [0], [1], [0, 0, 1, 1], [], []>, transpose_lhs_hint = false} : vector<1024x256xf32>, vector<256x1024xf32>, vector<1024x1024xf32> -> vector<1024x1024xf32>
    %slice3A_623 = vector.extract_strided_slice %dot_general3A_622 {offsets = [0, 0], sizes = [1024, 128], strides = [1, 1]} : vector<1024x1024xf32> to vector<1024x128xf32>
    %sub3A_624 = vector.broadcast %get3A_4 : vector<1024x1xf32> to vector<1024x128xf32>
    %sub3A_625 = arith.subf %sub3A_624, %slice3A_623 : vector<1024x128xf32>
    %get3A_626 = arith.constant 0 : index
    %get3A_627 = arith.constant 5120 : index
    %get3A_628 = vector.load %arg4[%get3A_626, %get3A_627] : memref<1x8192xf32, #tpu.memory_space<vmem>>, vector<1x128xf32>
    %add3A_629 = vector.broadcast %get3A_628 : vector<1x128xf32> to vector<1024x128xf32>
    %add3A_630 = arith.addf %sub3A_625, %add3A_629 : vector<1024x128xf32>
    %rsqrt3A_631 = math.rsqrt %add3A_630 : vector<1024x128xf32>
    %mul3A_632 = arith.mulf %add3A_630, %rsqrt3A_631 : vector<1024x128xf32>
    %lt3A_633 = arith.cmpf olt, %mul3A_632, %select_n3A_614 : vector<1024x128xf32>
    %select_n3A_634 = arith.select %lt3A_633, %mul3A_632, %select_n3A_614 : vector<1024x128xi1>, vector<1024x128xf32>
    %broadcast_in_dim3A_635 = arith.constant 40 : i32
    %broadcast_in_dim3A_636 = vector.broadcast %broadcast_in_dim3A_635 : i32 to vector<1024x128xi32>
    %select_n3A_637 = arith.select %lt3A_633, %broadcast_in_dim3A_636, %select_n3A_617 : vector<1024x128xi1>, vector<1024x128xi32>
    %slice3A_638 = vector.extract_strided_slice %dot_general3A_622 {offsets = [0, 128], sizes = [1024, 128], strides = [1, 1]} : vector<1024x1024xf32> to vector<1024x128xf32>
    %sub3A_639 = vector.broadcast %get3A_4 : vector<1024x1xf32> to vector<1024x128xf32>
    %sub3A_640 = arith.subf %sub3A_639, %slice3A_638 : vector<1024x128xf32>
    %get3A_641 = arith.constant 0 : index
    %get3A_642 = arith.constant 5248 : index
    %get3A_643 = vector.load %arg4[%get3A_641, %get3A_642] : memref<1x8192xf32, #tpu.memory_space<vmem>>, vector<1x128xf32>
    %add3A_644 = vector.broadcast %get3A_643 : vector<1x128xf32> to vector<1024x128xf32>
    %add3A_645 = arith.addf %sub3A_640, %add3A_644 : vector<1024x128xf32>
    %rsqrt3A_646 = math.rsqrt %add3A_645 : vector<1024x128xf32>
    %mul3A_647 = arith.mulf %add3A_645, %rsqrt3A_646 : vector<1024x128xf32>
    %lt3A_648 = arith.cmpf olt, %mul3A_647, %select_n3A_634 : vector<1024x128xf32>
    %select_n3A_649 = arith.select %lt3A_648, %mul3A_647, %select_n3A_634 : vector<1024x128xi1>, vector<1024x128xf32>
    %broadcast_in_dim3A_650 = arith.constant 41 : i32
    %broadcast_in_dim3A_651 = vector.broadcast %broadcast_in_dim3A_650 : i32 to vector<1024x128xi32>
    %select_n3A_652 = arith.select %lt3A_648, %broadcast_in_dim3A_651, %select_n3A_637 : vector<1024x128xi1>, vector<1024x128xi32>
    %slice3A_653 = vector.extract_strided_slice %dot_general3A_622 {offsets = [0, 256], sizes = [1024, 128], strides = [1, 1]} : vector<1024x1024xf32> to vector<1024x128xf32>
    %sub3A_654 = vector.broadcast %get3A_4 : vector<1024x1xf32> to vector<1024x128xf32>
    %sub3A_655 = arith.subf %sub3A_654, %slice3A_653 : vector<1024x128xf32>
    %get3A_656 = arith.constant 0 : index
    %get3A_657 = arith.constant 5376 : index
    %get3A_658 = vector.load %arg4[%get3A_656, %get3A_657] : memref<1x8192xf32, #tpu.memory_space<vmem>>, vector<1x128xf32>
    %add3A_659 = vector.broadcast %get3A_658 : vector<1x128xf32> to vector<1024x128xf32>
    %add3A_660 = arith.addf %sub3A_655, %add3A_659 : vector<1024x128xf32>
    %rsqrt3A_661 = math.rsqrt %add3A_660 : vector<1024x128xf32>
    %mul3A_662 = arith.mulf %add3A_660, %rsqrt3A_661 : vector<1024x128xf32>
    %lt3A_663 = arith.cmpf olt, %mul3A_662, %select_n3A_649 : vector<1024x128xf32>
    %select_n3A_664 = arith.select %lt3A_663, %mul3A_662, %select_n3A_649 : vector<1024x128xi1>, vector<1024x128xf32>
    %broadcast_in_dim3A_665 = arith.constant 42 : i32
    %broadcast_in_dim3A_666 = vector.broadcast %broadcast_in_dim3A_665 : i32 to vector<1024x128xi32>
    %select_n3A_667 = arith.select %lt3A_663, %broadcast_in_dim3A_666, %select_n3A_652 : vector<1024x128xi1>, vector<1024x128xi32>
    %slice3A_668 = vector.extract_strided_slice %dot_general3A_622 {offsets = [0, 384], sizes = [1024, 128], strides = [1, 1]} : vector<1024x1024xf32> to vector<1024x128xf32>
    %sub3A_669 = vector.broadcast %get3A_4 : vector<1024x1xf32> to vector<1024x128xf32>
    %sub3A_670 = arith.subf %sub3A_669, %slice3A_668 : vector<1024x128xf32>
    %get3A_671 = arith.constant 0 : index
    %get3A_672 = arith.constant 5504 : index
    %get3A_673 = vector.load %arg4[%get3A_671, %get3A_672] : memref<1x8192xf32, #tpu.memory_space<vmem>>, vector<1x128xf32>
    %add3A_674 = vector.broadcast %get3A_673 : vector<1x128xf32> to vector<1024x128xf32>
    %add3A_675 = arith.addf %sub3A_670, %add3A_674 : vector<1024x128xf32>
    %rsqrt3A_676 = math.rsqrt %add3A_675 : vector<1024x128xf32>
    %mul3A_677 = arith.mulf %add3A_675, %rsqrt3A_676 : vector<1024x128xf32>
    %lt3A_678 = arith.cmpf olt, %mul3A_677, %select_n3A_664 : vector<1024x128xf32>
    %select_n3A_679 = arith.select %lt3A_678, %mul3A_677, %select_n3A_664 : vector<1024x128xi1>, vector<1024x128xf32>
    %broadcast_in_dim3A_680 = arith.constant 43 : i32
    %broadcast_in_dim3A_681 = vector.broadcast %broadcast_in_dim3A_680 : i32 to vector<1024x128xi32>
    %select_n3A_682 = arith.select %lt3A_678, %broadcast_in_dim3A_681, %select_n3A_667 : vector<1024x128xi1>, vector<1024x128xi32>
    %slice3A_683 = vector.extract_strided_slice %dot_general3A_622 {offsets = [0, 512], sizes = [1024, 128], strides = [1, 1]} : vector<1024x1024xf32> to vector<1024x128xf32>
    %sub3A_684 = vector.broadcast %get3A_4 : vector<1024x1xf32> to vector<1024x128xf32>
    %sub3A_685 = arith.subf %sub3A_684, %slice3A_683 : vector<1024x128xf32>
    %get3A_686 = arith.constant 0 : index
    %get3A_687 = arith.constant 5632 : index
    %get3A_688 = vector.load %arg4[%get3A_686, %get3A_687] : memref<1x8192xf32, #tpu.memory_space<vmem>>, vector<1x128xf32>
    %add3A_689 = vector.broadcast %get3A_688 : vector<1x128xf32> to vector<1024x128xf32>
    %add3A_690 = arith.addf %sub3A_685, %add3A_689 : vector<1024x128xf32>
    %rsqrt3A_691 = math.rsqrt %add3A_690 : vector<1024x128xf32>
    %mul3A_692 = arith.mulf %add3A_690, %rsqrt3A_691 : vector<1024x128xf32>
    %lt3A_693 = arith.cmpf olt, %mul3A_692, %select_n3A_679 : vector<1024x128xf32>
    %select_n3A_694 = arith.select %lt3A_693, %mul3A_692, %select_n3A_679 : vector<1024x128xi1>, vector<1024x128xf32>
    %broadcast_in_dim3A_695 = arith.constant 44 : i32
    %broadcast_in_dim3A_696 = vector.broadcast %broadcast_in_dim3A_695 : i32 to vector<1024x128xi32>
    %select_n3A_697 = arith.select %lt3A_693, %broadcast_in_dim3A_696, %select_n3A_682 : vector<1024x128xi1>, vector<1024x128xi32>
    %slice3A_698 = vector.extract_strided_slice %dot_general3A_622 {offsets = [0, 640], sizes = [1024, 128], strides = [1, 1]} : vector<1024x1024xf32> to vector<1024x128xf32>
    %sub3A_699 = vector.broadcast %get3A_4 : vector<1024x1xf32> to vector<1024x128xf32>
    %sub3A_700 = arith.subf %sub3A_699, %slice3A_698 : vector<1024x128xf32>
    %get3A_701 = arith.constant 0 : index
    %get3A_702 = arith.constant 5760 : index
    %get3A_703 = vector.load %arg4[%get3A_701, %get3A_702] : memref<1x8192xf32, #tpu.memory_space<vmem>>, vector<1x128xf32>
    %add3A_704 = vector.broadcast %get3A_703 : vector<1x128xf32> to vector<1024x128xf32>
    %add3A_705 = arith.addf %sub3A_700, %add3A_704 : vector<1024x128xf32>
    %rsqrt3A_706 = math.rsqrt %add3A_705 : vector<1024x128xf32>
    %mul3A_707 = arith.mulf %add3A_705, %rsqrt3A_706 : vector<1024x128xf32>
    %lt3A_708 = arith.cmpf olt, %mul3A_707, %select_n3A_694 : vector<1024x128xf32>
    %select_n3A_709 = arith.select %lt3A_708, %mul3A_707, %select_n3A_694 : vector<1024x128xi1>, vector<1024x128xf32>
    %broadcast_in_dim3A_710 = arith.constant 45 : i32
    %broadcast_in_dim3A_711 = vector.broadcast %broadcast_in_dim3A_710 : i32 to vector<1024x128xi32>
    %select_n3A_712 = arith.select %lt3A_708, %broadcast_in_dim3A_711, %select_n3A_697 : vector<1024x128xi1>, vector<1024x128xi32>
    %slice3A_713 = vector.extract_strided_slice %dot_general3A_622 {offsets = [0, 768], sizes = [1024, 128], strides = [1, 1]} : vector<1024x1024xf32> to vector<1024x128xf32>
    %sub3A_714 = vector.broadcast %get3A_4 : vector<1024x1xf32> to vector<1024x128xf32>
    %sub3A_715 = arith.subf %sub3A_714, %slice3A_713 : vector<1024x128xf32>
    %get3A_716 = arith.constant 0 : index
    %get3A_717 = arith.constant 5888 : index
    %get3A_718 = vector.load %arg4[%get3A_716, %get3A_717] : memref<1x8192xf32, #tpu.memory_space<vmem>>, vector<1x128xf32>
    %add3A_719 = vector.broadcast %get3A_718 : vector<1x128xf32> to vector<1024x128xf32>
    %add3A_720 = arith.addf %sub3A_715, %add3A_719 : vector<1024x128xf32>
    %rsqrt3A_721 = math.rsqrt %add3A_720 : vector<1024x128xf32>
    %mul3A_722 = arith.mulf %add3A_720, %rsqrt3A_721 : vector<1024x128xf32>
    %lt3A_723 = arith.cmpf olt, %mul3A_722, %select_n3A_709 : vector<1024x128xf32>
    %select_n3A_724 = arith.select %lt3A_723, %mul3A_722, %select_n3A_709 : vector<1024x128xi1>, vector<1024x128xf32>
    %broadcast_in_dim3A_725 = arith.constant 46 : i32
    %broadcast_in_dim3A_726 = vector.broadcast %broadcast_in_dim3A_725 : i32 to vector<1024x128xi32>
    %select_n3A_727 = arith.select %lt3A_723, %broadcast_in_dim3A_726, %select_n3A_712 : vector<1024x128xi1>, vector<1024x128xi32>
    %slice3A_728 = vector.extract_strided_slice %dot_general3A_622 {offsets = [0, 896], sizes = [1024, 128], strides = [1, 1]} : vector<1024x1024xf32> to vector<1024x128xf32>
    %sub3A_729 = vector.broadcast %get3A_4 : vector<1024x1xf32> to vector<1024x128xf32>
    %sub3A_730 = arith.subf %sub3A_729, %slice3A_728 : vector<1024x128xf32>
    %get3A_731 = arith.constant 0 : index
    %get3A_732 = arith.constant 6016 : index
    %get3A_733 = vector.load %arg4[%get3A_731, %get3A_732] : memref<1x8192xf32, #tpu.memory_space<vmem>>, vector<1x128xf32>
    %add3A_734 = vector.broadcast %get3A_733 : vector<1x128xf32> to vector<1024x128xf32>
    %add3A_735 = arith.addf %sub3A_730, %add3A_734 : vector<1024x128xf32>
    %rsqrt3A_736 = math.rsqrt %add3A_735 : vector<1024x128xf32>
    %mul3A_737 = arith.mulf %add3A_735, %rsqrt3A_736 : vector<1024x128xf32>
    %lt3A_738 = arith.cmpf olt, %mul3A_737, %select_n3A_724 : vector<1024x128xf32>
    %select_n3A_739 = arith.select %lt3A_738, %mul3A_737, %select_n3A_724 : vector<1024x128xi1>, vector<1024x128xf32>
    %broadcast_in_dim3A_740 = arith.constant 47 : i32
    %broadcast_in_dim3A_741 = vector.broadcast %broadcast_in_dim3A_740 : i32 to vector<1024x128xi32>
    %select_n3A_742 = arith.select %lt3A_738, %broadcast_in_dim3A_741, %select_n3A_727 : vector<1024x128xi1>, vector<1024x128xi32>
    %get3A_743 = arith.constant 0 : index
    %get3A_744 = arith.constant 6144 : index
    %get3A_745 = vector.load %arg3[%get3A_743, %get3A_744] : memref<256x8192xf32, #tpu.memory_space<vmem>>, vector<256x1024xf32>
    %dot_general3A_746 = arith.constant dense<0.000000e+00> : vector<1024x1024xf32>
    %dot_general3A_747 = tpu.matmul %get3A_1, %get3A_745, %dot_general3A_746 {dimension_numbers = #tpu.dot_dimension_numbers<[1], [0], [0], [1], [0, 0, 1, 1], [], []>, transpose_lhs_hint = false} : vector<1024x256xf32>, vector<256x1024xf32>, vector<1024x1024xf32> -> vector<1024x1024xf32>
    %slice3A_748 = vector.extract_strided_slice %dot_general3A_747 {offsets = [0, 0], sizes = [1024, 128], strides = [1, 1]} : vector<1024x1024xf32> to vector<1024x128xf32>
    %sub3A_749 = vector.broadcast %get3A_4 : vector<1024x1xf32> to vector<1024x128xf32>
    %sub3A_750 = arith.subf %sub3A_749, %slice3A_748 : vector<1024x128xf32>
    %get3A_751 = arith.constant 0 : index
    %get3A_752 = arith.constant 6144 : index
    %get3A_753 = vector.load %arg4[%get3A_751, %get3A_752] : memref<1x8192xf32, #tpu.memory_space<vmem>>, vector<1x128xf32>
    %add3A_754 = vector.broadcast %get3A_753 : vector<1x128xf32> to vector<1024x128xf32>
    %add3A_755 = arith.addf %sub3A_750, %add3A_754 : vector<1024x128xf32>
    %rsqrt3A_756 = math.rsqrt %add3A_755 : vector<1024x128xf32>
    %mul3A_757 = arith.mulf %add3A_755, %rsqrt3A_756 : vector<1024x128xf32>
    %lt3A_758 = arith.cmpf olt, %mul3A_757, %select_n3A_739 : vector<1024x128xf32>
    %select_n3A_759 = arith.select %lt3A_758, %mul3A_757, %select_n3A_739 : vector<1024x128xi1>, vector<1024x128xf32>
    %broadcast_in_dim3A_760 = arith.constant 48 : i32
    %broadcast_in_dim3A_761 = vector.broadcast %broadcast_in_dim3A_760 : i32 to vector<1024x128xi32>
    %select_n3A_762 = arith.select %lt3A_758, %broadcast_in_dim3A_761, %select_n3A_742 : vector<1024x128xi1>, vector<1024x128xi32>
    %slice3A_763 = vector.extract_strided_slice %dot_general3A_747 {offsets = [0, 128], sizes = [1024, 128], strides = [1, 1]} : vector<1024x1024xf32> to vector<1024x128xf32>
    %sub3A_764 = vector.broadcast %get3A_4 : vector<1024x1xf32> to vector<1024x128xf32>
    %sub3A_765 = arith.subf %sub3A_764, %slice3A_763 : vector<1024x128xf32>
    %get3A_766 = arith.constant 0 : index
    %get3A_767 = arith.constant 6272 : index
    %get3A_768 = vector.load %arg4[%get3A_766, %get3A_767] : memref<1x8192xf32, #tpu.memory_space<vmem>>, vector<1x128xf32>
    %add3A_769 = vector.broadcast %get3A_768 : vector<1x128xf32> to vector<1024x128xf32>
    %add3A_770 = arith.addf %sub3A_765, %add3A_769 : vector<1024x128xf32>
    %rsqrt3A_771 = math.rsqrt %add3A_770 : vector<1024x128xf32>
    %mul3A_772 = arith.mulf %add3A_770, %rsqrt3A_771 : vector<1024x128xf32>
    %lt3A_773 = arith.cmpf olt, %mul3A_772, %select_n3A_759 : vector<1024x128xf32>
    %select_n3A_774 = arith.select %lt3A_773, %mul3A_772, %select_n3A_759 : vector<1024x128xi1>, vector<1024x128xf32>
    %broadcast_in_dim3A_775 = arith.constant 49 : i32
    %broadcast_in_dim3A_776 = vector.broadcast %broadcast_in_dim3A_775 : i32 to vector<1024x128xi32>
    %select_n3A_777 = arith.select %lt3A_773, %broadcast_in_dim3A_776, %select_n3A_762 : vector<1024x128xi1>, vector<1024x128xi32>
    %slice3A_778 = vector.extract_strided_slice %dot_general3A_747 {offsets = [0, 256], sizes = [1024, 128], strides = [1, 1]} : vector<1024x1024xf32> to vector<1024x128xf32>
    %sub3A_779 = vector.broadcast %get3A_4 : vector<1024x1xf32> to vector<1024x128xf32>
    %sub3A_780 = arith.subf %sub3A_779, %slice3A_778 : vector<1024x128xf32>
    %get3A_781 = arith.constant 0 : index
    %get3A_782 = arith.constant 6400 : index
    %get3A_783 = vector.load %arg4[%get3A_781, %get3A_782] : memref<1x8192xf32, #tpu.memory_space<vmem>>, vector<1x128xf32>
    %add3A_784 = vector.broadcast %get3A_783 : vector<1x128xf32> to vector<1024x128xf32>
    %add3A_785 = arith.addf %sub3A_780, %add3A_784 : vector<1024x128xf32>
    %rsqrt3A_786 = math.rsqrt %add3A_785 : vector<1024x128xf32>
    %mul3A_787 = arith.mulf %add3A_785, %rsqrt3A_786 : vector<1024x128xf32>
    %lt3A_788 = arith.cmpf olt, %mul3A_787, %select_n3A_774 : vector<1024x128xf32>
    %select_n3A_789 = arith.select %lt3A_788, %mul3A_787, %select_n3A_774 : vector<1024x128xi1>, vector<1024x128xf32>
    %broadcast_in_dim3A_790 = arith.constant 50 : i32
    %broadcast_in_dim3A_791 = vector.broadcast %broadcast_in_dim3A_790 : i32 to vector<1024x128xi32>
    %select_n3A_792 = arith.select %lt3A_788, %broadcast_in_dim3A_791, %select_n3A_777 : vector<1024x128xi1>, vector<1024x128xi32>
    %slice3A_793 = vector.extract_strided_slice %dot_general3A_747 {offsets = [0, 384], sizes = [1024, 128], strides = [1, 1]} : vector<1024x1024xf32> to vector<1024x128xf32>
    %sub3A_794 = vector.broadcast %get3A_4 : vector<1024x1xf32> to vector<1024x128xf32>
    %sub3A_795 = arith.subf %sub3A_794, %slice3A_793 : vector<1024x128xf32>
    %get3A_796 = arith.constant 0 : index
    %get3A_797 = arith.constant 6528 : index
    %get3A_798 = vector.load %arg4[%get3A_796, %get3A_797] : memref<1x8192xf32, #tpu.memory_space<vmem>>, vector<1x128xf32>
    %add3A_799 = vector.broadcast %get3A_798 : vector<1x128xf32> to vector<1024x128xf32>
    %add3A_800 = arith.addf %sub3A_795, %add3A_799 : vector<1024x128xf32>
    %rsqrt3A_801 = math.rsqrt %add3A_800 : vector<1024x128xf32>
    %mul3A_802 = arith.mulf %add3A_800, %rsqrt3A_801 : vector<1024x128xf32>
    %lt3A_803 = arith.cmpf olt, %mul3A_802, %select_n3A_789 : vector<1024x128xf32>
    %select_n3A_804 = arith.select %lt3A_803, %mul3A_802, %select_n3A_789 : vector<1024x128xi1>, vector<1024x128xf32>
    %broadcast_in_dim3A_805 = arith.constant 51 : i32
    %broadcast_in_dim3A_806 = vector.broadcast %broadcast_in_dim3A_805 : i32 to vector<1024x128xi32>
    %select_n3A_807 = arith.select %lt3A_803, %broadcast_in_dim3A_806, %select_n3A_792 : vector<1024x128xi1>, vector<1024x128xi32>
    %slice3A_808 = vector.extract_strided_slice %dot_general3A_747 {offsets = [0, 512], sizes = [1024, 128], strides = [1, 1]} : vector<1024x1024xf32> to vector<1024x128xf32>
    %sub3A_809 = vector.broadcast %get3A_4 : vector<1024x1xf32> to vector<1024x128xf32>
    %sub3A_810 = arith.subf %sub3A_809, %slice3A_808 : vector<1024x128xf32>
    %get3A_811 = arith.constant 0 : index
    %get3A_812 = arith.constant 6656 : index
    %get3A_813 = vector.load %arg4[%get3A_811, %get3A_812] : memref<1x8192xf32, #tpu.memory_space<vmem>>, vector<1x128xf32>
    %add3A_814 = vector.broadcast %get3A_813 : vector<1x128xf32> to vector<1024x128xf32>
    %add3A_815 = arith.addf %sub3A_810, %add3A_814 : vector<1024x128xf32>
    %rsqrt3A_816 = math.rsqrt %add3A_815 : vector<1024x128xf32>
    %mul3A_817 = arith.mulf %add3A_815, %rsqrt3A_816 : vector<1024x128xf32>
    %lt3A_818 = arith.cmpf olt, %mul3A_817, %select_n3A_804 : vector<1024x128xf32>
    %select_n3A_819 = arith.select %lt3A_818, %mul3A_817, %select_n3A_804 : vector<1024x128xi1>, vector<1024x128xf32>
    %broadcast_in_dim3A_820 = arith.constant 52 : i32
    %broadcast_in_dim3A_821 = vector.broadcast %broadcast_in_dim3A_820 : i32 to vector<1024x128xi32>
    %select_n3A_822 = arith.select %lt3A_818, %broadcast_in_dim3A_821, %select_n3A_807 : vector<1024x128xi1>, vector<1024x128xi32>
    %slice3A_823 = vector.extract_strided_slice %dot_general3A_747 {offsets = [0, 640], sizes = [1024, 128], strides = [1, 1]} : vector<1024x1024xf32> to vector<1024x128xf32>
    %sub3A_824 = vector.broadcast %get3A_4 : vector<1024x1xf32> to vector<1024x128xf32>
    %sub3A_825 = arith.subf %sub3A_824, %slice3A_823 : vector<1024x128xf32>
    %get3A_826 = arith.constant 0 : index
    %get3A_827 = arith.constant 6784 : index
    %get3A_828 = vector.load %arg4[%get3A_826, %get3A_827] : memref<1x8192xf32, #tpu.memory_space<vmem>>, vector<1x128xf32>
    %add3A_829 = vector.broadcast %get3A_828 : vector<1x128xf32> to vector<1024x128xf32>
    %add3A_830 = arith.addf %sub3A_825, %add3A_829 : vector<1024x128xf32>
    %rsqrt3A_831 = math.rsqrt %add3A_830 : vector<1024x128xf32>
    %mul3A_832 = arith.mulf %add3A_830, %rsqrt3A_831 : vector<1024x128xf32>
    %lt3A_833 = arith.cmpf olt, %mul3A_832, %select_n3A_819 : vector<1024x128xf32>
    %select_n3A_834 = arith.select %lt3A_833, %mul3A_832, %select_n3A_819 : vector<1024x128xi1>, vector<1024x128xf32>
    %broadcast_in_dim3A_835 = arith.constant 53 : i32
    %broadcast_in_dim3A_836 = vector.broadcast %broadcast_in_dim3A_835 : i32 to vector<1024x128xi32>
    %select_n3A_837 = arith.select %lt3A_833, %broadcast_in_dim3A_836, %select_n3A_822 : vector<1024x128xi1>, vector<1024x128xi32>
    %slice3A_838 = vector.extract_strided_slice %dot_general3A_747 {offsets = [0, 768], sizes = [1024, 128], strides = [1, 1]} : vector<1024x1024xf32> to vector<1024x128xf32>
    %sub3A_839 = vector.broadcast %get3A_4 : vector<1024x1xf32> to vector<1024x128xf32>
    %sub3A_840 = arith.subf %sub3A_839, %slice3A_838 : vector<1024x128xf32>
    %get3A_841 = arith.constant 0 : index
    %get3A_842 = arith.constant 6912 : index
    %get3A_843 = vector.load %arg4[%get3A_841, %get3A_842] : memref<1x8192xf32, #tpu.memory_space<vmem>>, vector<1x128xf32>
    %add3A_844 = vector.broadcast %get3A_843 : vector<1x128xf32> to vector<1024x128xf32>
    %add3A_845 = arith.addf %sub3A_840, %add3A_844 : vector<1024x128xf32>
    %rsqrt3A_846 = math.rsqrt %add3A_845 : vector<1024x128xf32>
    %mul3A_847 = arith.mulf %add3A_845, %rsqrt3A_846 : vector<1024x128xf32>
    %lt3A_848 = arith.cmpf olt, %mul3A_847, %select_n3A_834 : vector<1024x128xf32>
    %select_n3A_849 = arith.select %lt3A_848, %mul3A_847, %select_n3A_834 : vector<1024x128xi1>, vector<1024x128xf32>
    %broadcast_in_dim3A_850 = arith.constant 54 : i32
    %broadcast_in_dim3A_851 = vector.broadcast %broadcast_in_dim3A_850 : i32 to vector<1024x128xi32>
    %select_n3A_852 = arith.select %lt3A_848, %broadcast_in_dim3A_851, %select_n3A_837 : vector<1024x128xi1>, vector<1024x128xi32>
    %slice3A_853 = vector.extract_strided_slice %dot_general3A_747 {offsets = [0, 896], sizes = [1024, 128], strides = [1, 1]} : vector<1024x1024xf32> to vector<1024x128xf32>
    %sub3A_854 = vector.broadcast %get3A_4 : vector<1024x1xf32> to vector<1024x128xf32>
    %sub3A_855 = arith.subf %sub3A_854, %slice3A_853 : vector<1024x128xf32>
    %get3A_856 = arith.constant 0 : index
    %get3A_857 = arith.constant 7040 : index
    %get3A_858 = vector.load %arg4[%get3A_856, %get3A_857] : memref<1x8192xf32, #tpu.memory_space<vmem>>, vector<1x128xf32>
    %add3A_859 = vector.broadcast %get3A_858 : vector<1x128xf32> to vector<1024x128xf32>
    %add3A_860 = arith.addf %sub3A_855, %add3A_859 : vector<1024x128xf32>
    %rsqrt3A_861 = math.rsqrt %add3A_860 : vector<1024x128xf32>
    %mul3A_862 = arith.mulf %add3A_860, %rsqrt3A_861 : vector<1024x128xf32>
    %lt3A_863 = arith.cmpf olt, %mul3A_862, %select_n3A_849 : vector<1024x128xf32>
    %select_n3A_864 = arith.select %lt3A_863, %mul3A_862, %select_n3A_849 : vector<1024x128xi1>, vector<1024x128xf32>
    %broadcast_in_dim3A_865 = arith.constant 55 : i32
    %broadcast_in_dim3A_866 = vector.broadcast %broadcast_in_dim3A_865 : i32 to vector<1024x128xi32>
    %select_n3A_867 = arith.select %lt3A_863, %broadcast_in_dim3A_866, %select_n3A_852 : vector<1024x128xi1>, vector<1024x128xi32>
    %get3A_868 = arith.constant 0 : index
    %get3A_869 = arith.constant 7168 : index
    %get3A_870 = vector.load %arg3[%get3A_868, %get3A_869] : memref<256x8192xf32, #tpu.memory_space<vmem>>, vector<256x1024xf32>
    %dot_general3A_871 = arith.constant dense<0.000000e+00> : vector<1024x1024xf32>
    %dot_general3A_872 = tpu.matmul %get3A_1, %get3A_870, %dot_general3A_871 {dimension_numbers = #tpu.dot_dimension_numbers<[1], [0], [0], [1], [0, 0, 1, 1], [], []>, transpose_lhs_hint = false} : vector<1024x256xf32>, vector<256x1024xf32>, vector<1024x1024xf32> -> vector<1024x1024xf32>
    %slice3A_873 = vector.extract_strided_slice %dot_general3A_872 {offsets = [0, 0], sizes = [1024, 128], strides = [1, 1]} : vector<1024x1024xf32> to vector<1024x128xf32>
    %sub3A_874 = vector.broadcast %get3A_4 : vector<1024x1xf32> to vector<1024x128xf32>
    %sub3A_875 = arith.subf %sub3A_874, %slice3A_873 : vector<1024x128xf32>
    %get3A_876 = arith.constant 0 : index
    %get3A_877 = arith.constant 7168 : index
    %get3A_878 = vector.load %arg4[%get3A_876, %get3A_877] : memref<1x8192xf32, #tpu.memory_space<vmem>>, vector<1x128xf32>
    %add3A_879 = vector.broadcast %get3A_878 : vector<1x128xf32> to vector<1024x128xf32>
    %add3A_880 = arith.addf %sub3A_875, %add3A_879 : vector<1024x128xf32>
    %rsqrt3A_881 = math.rsqrt %add3A_880 : vector<1024x128xf32>
    %mul3A_882 = arith.mulf %add3A_880, %rsqrt3A_881 : vector<1024x128xf32>
    %lt3A_883 = arith.cmpf olt, %mul3A_882, %select_n3A_864 : vector<1024x128xf32>
    %select_n3A_884 = arith.select %lt3A_883, %mul3A_882, %select_n3A_864 : vector<1024x128xi1>, vector<1024x128xf32>
    %broadcast_in_dim3A_885 = arith.constant 56 : i32
    %broadcast_in_dim3A_886 = vector.broadcast %broadcast_in_dim3A_885 : i32 to vector<1024x128xi32>
    %select_n3A_887 = arith.select %lt3A_883, %broadcast_in_dim3A_886, %select_n3A_867 : vector<1024x128xi1>, vector<1024x128xi32>
    %slice3A_888 = vector.extract_strided_slice %dot_general3A_872 {offsets = [0, 128], sizes = [1024, 128], strides = [1, 1]} : vector<1024x1024xf32> to vector<1024x128xf32>
    %sub3A_889 = vector.broadcast %get3A_4 : vector<1024x1xf32> to vector<1024x128xf32>
    %sub3A_890 = arith.subf %sub3A_889, %slice3A_888 : vector<1024x128xf32>
    %get3A_891 = arith.constant 0 : index
    %get3A_892 = arith.constant 7296 : index
    %get3A_893 = vector.load %arg4[%get3A_891, %get3A_892] : memref<1x8192xf32, #tpu.memory_space<vmem>>, vector<1x128xf32>
    %add3A_894 = vector.broadcast %get3A_893 : vector<1x128xf32> to vector<1024x128xf32>
    %add3A_895 = arith.addf %sub3A_890, %add3A_894 : vector<1024x128xf32>
    %rsqrt3A_896 = math.rsqrt %add3A_895 : vector<1024x128xf32>
    %mul3A_897 = arith.mulf %add3A_895, %rsqrt3A_896 : vector<1024x128xf32>
    %lt3A_898 = arith.cmpf olt, %mul3A_897, %select_n3A_884 : vector<1024x128xf32>
    %select_n3A_899 = arith.select %lt3A_898, %mul3A_897, %select_n3A_884 : vector<1024x128xi1>, vector<1024x128xf32>
    %broadcast_in_dim3A_900 = arith.constant 57 : i32
    %broadcast_in_dim3A_901 = vector.broadcast %broadcast_in_dim3A_900 : i32 to vector<1024x128xi32>
    %select_n3A_902 = arith.select %lt3A_898, %broadcast_in_dim3A_901, %select_n3A_887 : vector<1024x128xi1>, vector<1024x128xi32>
    %slice3A_903 = vector.extract_strided_slice %dot_general3A_872 {offsets = [0, 256], sizes = [1024, 128], strides = [1, 1]} : vector<1024x1024xf32> to vector<1024x128xf32>
    %sub3A_904 = vector.broadcast %get3A_4 : vector<1024x1xf32> to vector<1024x128xf32>
    %sub3A_905 = arith.subf %sub3A_904, %slice3A_903 : vector<1024x128xf32>
    %get3A_906 = arith.constant 0 : index
    %get3A_907 = arith.constant 7424 : index
    %get3A_908 = vector.load %arg4[%get3A_906, %get3A_907] : memref<1x8192xf32, #tpu.memory_space<vmem>>, vector<1x128xf32>
    %add3A_909 = vector.broadcast %get3A_908 : vector<1x128xf32> to vector<1024x128xf32>
    %add3A_910 = arith.addf %sub3A_905, %add3A_909 : vector<1024x128xf32>
    %rsqrt3A_911 = math.rsqrt %add3A_910 : vector<1024x128xf32>
    %mul3A_912 = arith.mulf %add3A_910, %rsqrt3A_911 : vector<1024x128xf32>
    %lt3A_913 = arith.cmpf olt, %mul3A_912, %select_n3A_899 : vector<1024x128xf32>
    %select_n3A_914 = arith.select %lt3A_913, %mul3A_912, %select_n3A_899 : vector<1024x128xi1>, vector<1024x128xf32>
    %broadcast_in_dim3A_915 = arith.constant 58 : i32
    %broadcast_in_dim3A_916 = vector.broadcast %broadcast_in_dim3A_915 : i32 to vector<1024x128xi32>
    %select_n3A_917 = arith.select %lt3A_913, %broadcast_in_dim3A_916, %select_n3A_902 : vector<1024x128xi1>, vector<1024x128xi32>
    %slice3A_918 = vector.extract_strided_slice %dot_general3A_872 {offsets = [0, 384], sizes = [1024, 128], strides = [1, 1]} : vector<1024x1024xf32> to vector<1024x128xf32>
    %sub3A_919 = vector.broadcast %get3A_4 : vector<1024x1xf32> to vector<1024x128xf32>
    %sub3A_920 = arith.subf %sub3A_919, %slice3A_918 : vector<1024x128xf32>
    %get3A_921 = arith.constant 0 : index
    %get3A_922 = arith.constant 7552 : index
    %get3A_923 = vector.load %arg4[%get3A_921, %get3A_922] : memref<1x8192xf32, #tpu.memory_space<vmem>>, vector<1x128xf32>
    %add3A_924 = vector.broadcast %get3A_923 : vector<1x128xf32> to vector<1024x128xf32>
    %add3A_925 = arith.addf %sub3A_920, %add3A_924 : vector<1024x128xf32>
    %rsqrt3A_926 = math.rsqrt %add3A_925 : vector<1024x128xf32>
    %mul3A_927 = arith.mulf %add3A_925, %rsqrt3A_926 : vector<1024x128xf32>
    %lt3A_928 = arith.cmpf olt, %mul3A_927, %select_n3A_914 : vector<1024x128xf32>
    %select_n3A_929 = arith.select %lt3A_928, %mul3A_927, %select_n3A_914 : vector<1024x128xi1>, vector<1024x128xf32>
    %broadcast_in_dim3A_930 = arith.constant 59 : i32
    %broadcast_in_dim3A_931 = vector.broadcast %broadcast_in_dim3A_930 : i32 to vector<1024x128xi32>
    %select_n3A_932 = arith.select %lt3A_928, %broadcast_in_dim3A_931, %select_n3A_917 : vector<1024x128xi1>, vector<1024x128xi32>
    %slice3A_933 = vector.extract_strided_slice %dot_general3A_872 {offsets = [0, 512], sizes = [1024, 128], strides = [1, 1]} : vector<1024x1024xf32> to vector<1024x128xf32>
    %sub3A_934 = vector.broadcast %get3A_4 : vector<1024x1xf32> to vector<1024x128xf32>
    %sub3A_935 = arith.subf %sub3A_934, %slice3A_933 : vector<1024x128xf32>
    %get3A_936 = arith.constant 0 : index
    %get3A_937 = arith.constant 7680 : index
    %get3A_938 = vector.load %arg4[%get3A_936, %get3A_937] : memref<1x8192xf32, #tpu.memory_space<vmem>>, vector<1x128xf32>
    %add3A_939 = vector.broadcast %get3A_938 : vector<1x128xf32> to vector<1024x128xf32>
    %add3A_940 = arith.addf %sub3A_935, %add3A_939 : vector<1024x128xf32>
    %rsqrt3A_941 = math.rsqrt %add3A_940 : vector<1024x128xf32>
    %mul3A_942 = arith.mulf %add3A_940, %rsqrt3A_941 : vector<1024x128xf32>
    %lt3A_943 = arith.cmpf olt, %mul3A_942, %select_n3A_929 : vector<1024x128xf32>
    %select_n3A_944 = arith.select %lt3A_943, %mul3A_942, %select_n3A_929 : vector<1024x128xi1>, vector<1024x128xf32>
    %broadcast_in_dim3A_945 = arith.constant 60 : i32
    %broadcast_in_dim3A_946 = vector.broadcast %broadcast_in_dim3A_945 : i32 to vector<1024x128xi32>
    %select_n3A_947 = arith.select %lt3A_943, %broadcast_in_dim3A_946, %select_n3A_932 : vector<1024x128xi1>, vector<1024x128xi32>
    %slice3A_948 = vector.extract_strided_slice %dot_general3A_872 {offsets = [0, 640], sizes = [1024, 128], strides = [1, 1]} : vector<1024x1024xf32> to vector<1024x128xf32>
    %sub3A_949 = vector.broadcast %get3A_4 : vector<1024x1xf32> to vector<1024x128xf32>
    %sub3A_950 = arith.subf %sub3A_949, %slice3A_948 : vector<1024x128xf32>
    %get3A_951 = arith.constant 0 : index
    %get3A_952 = arith.constant 7808 : index
    %get3A_953 = vector.load %arg4[%get3A_951, %get3A_952] : memref<1x8192xf32, #tpu.memory_space<vmem>>, vector<1x128xf32>
    %add3A_954 = vector.broadcast %get3A_953 : vector<1x128xf32> to vector<1024x128xf32>
    %add3A_955 = arith.addf %sub3A_950, %add3A_954 : vector<1024x128xf32>
    %rsqrt3A_956 = math.rsqrt %add3A_955 : vector<1024x128xf32>
    %mul3A_957 = arith.mulf %add3A_955, %rsqrt3A_956 : vector<1024x128xf32>
    %lt3A_958 = arith.cmpf olt, %mul3A_957, %select_n3A_944 : vector<1024x128xf32>
    %select_n3A_959 = arith.select %lt3A_958, %mul3A_957, %select_n3A_944 : vector<1024x128xi1>, vector<1024x128xf32>
    %broadcast_in_dim3A_960 = arith.constant 61 : i32
    %broadcast_in_dim3A_961 = vector.broadcast %broadcast_in_dim3A_960 : i32 to vector<1024x128xi32>
    %select_n3A_962 = arith.select %lt3A_958, %broadcast_in_dim3A_961, %select_n3A_947 : vector<1024x128xi1>, vector<1024x128xi32>
    %slice3A_963 = vector.extract_strided_slice %dot_general3A_872 {offsets = [0, 768], sizes = [1024, 128], strides = [1, 1]} : vector<1024x1024xf32> to vector<1024x128xf32>
    %sub3A_964 = vector.broadcast %get3A_4 : vector<1024x1xf32> to vector<1024x128xf32>
    %sub3A_965 = arith.subf %sub3A_964, %slice3A_963 : vector<1024x128xf32>
    %get3A_966 = arith.constant 0 : index
    %get3A_967 = arith.constant 7936 : index
    %get3A_968 = vector.load %arg4[%get3A_966, %get3A_967] : memref<1x8192xf32, #tpu.memory_space<vmem>>, vector<1x128xf32>
    %add3A_969 = vector.broadcast %get3A_968 : vector<1x128xf32> to vector<1024x128xf32>
    %add3A_970 = arith.addf %sub3A_965, %add3A_969 : vector<1024x128xf32>
    %rsqrt3A_971 = math.rsqrt %add3A_970 : vector<1024x128xf32>
    %mul3A_972 = arith.mulf %add3A_970, %rsqrt3A_971 : vector<1024x128xf32>
    %lt3A_973 = arith.cmpf olt, %mul3A_972, %select_n3A_959 : vector<1024x128xf32>
    %select_n3A_974 = arith.select %lt3A_973, %mul3A_972, %select_n3A_959 : vector<1024x128xi1>, vector<1024x128xf32>
    %broadcast_in_dim3A_975 = arith.constant 62 : i32
    %broadcast_in_dim3A_976 = vector.broadcast %broadcast_in_dim3A_975 : i32 to vector<1024x128xi32>
    %select_n3A_977 = arith.select %lt3A_973, %broadcast_in_dim3A_976, %select_n3A_962 : vector<1024x128xi1>, vector<1024x128xi32>
    %slice3A_978 = vector.extract_strided_slice %dot_general3A_872 {offsets = [0, 896], sizes = [1024, 128], strides = [1, 1]} : vector<1024x1024xf32> to vector<1024x128xf32>
    %sub3A_979 = vector.broadcast %get3A_4 : vector<1024x1xf32> to vector<1024x128xf32>
    %sub3A_980 = arith.subf %sub3A_979, %slice3A_978 : vector<1024x128xf32>
    %get3A_981 = arith.constant 0 : index
    %get3A_982 = arith.constant 8064 : index
    %get3A_983 = vector.load %arg4[%get3A_981, %get3A_982] : memref<1x8192xf32, #tpu.memory_space<vmem>>, vector<1x128xf32>
    %add3A_984 = vector.broadcast %get3A_983 : vector<1x128xf32> to vector<1024x128xf32>
    %add3A_985 = arith.addf %sub3A_980, %add3A_984 : vector<1024x128xf32>
    %rsqrt3A_986 = math.rsqrt %add3A_985 : vector<1024x128xf32>
    %mul3A_987 = arith.mulf %add3A_985, %rsqrt3A_986 : vector<1024x128xf32>
    %lt3A_988 = arith.cmpf olt, %mul3A_987, %select_n3A_974 : vector<1024x128xf32>
    %select_n3A_989 = arith.select %lt3A_988, %mul3A_987, %select_n3A_974 : vector<1024x128xi1>, vector<1024x128xf32>
    %broadcast_in_dim3A_990 = arith.constant 63 : i32
    %broadcast_in_dim3A_991 = vector.broadcast %broadcast_in_dim3A_990 : i32 to vector<1024x128xi32>
    %select_n3A_992 = arith.select %lt3A_988, %broadcast_in_dim3A_991, %select_n3A_977 : vector<1024x128xi1>, vector<1024x128xi32>
    %reduce_min3A = arith.constant dense<0x7F800000> : vector<1024xf32>
    %reduce_min3A_993 = vector.multi_reduction <minimumf>, %select_n3A_989, %reduce_min3A [1] : vector<1024x128xf32> to vector<1024xf32>
    %broadcast_in_dim3A_994 = vector.shape_cast %reduce_min3A_993 : vector<1024xf32> to vector<1024x1xf32>
    %mul3A_995 = arith.constant 128 : i32
    %mul3A_996 = vector.broadcast %mul3A_995 : i32 to vector<1024x128xi32>
    %mul3A_997 = arith.muli %select_n3A_992, %mul3A_996 : vector<1024x128xi32>
    %add3A_998 = arith.addi %mul3A_997, %iota3A : vector<1024x128xi32>
    %eq3A = vector.broadcast %broadcast_in_dim3A_994 : vector<1024x1xf32> to vector<1024x128xf32>
    %eq3A_999 = arith.cmpf oeq, %select_n3A_989, %eq3A : vector<1024x128xf32>
    %jit3A = arith.constant 1073741824 : i32
    %broadcast_in_dim3A_1000 = vector.broadcast %jit3A : i32 to vector<1024x128xi32>
    %select_n3A_1001 = arith.select %eq3A_999, %add3A_998, %broadcast_in_dim3A_1000 : vector<1024x128xi1>, vector<1024x128xi32>
    %reduce_min3A_1002 = arith.constant dense<2147483647> : vector<1024xi32>
    %reduce_min3A_1003 = vector.multi_reduction <minsi>, %select_n3A_1001, %reduce_min3A_1002 [1] : vector<1024x128xi32> to vector<1024xi32>
    %broadcast_in_dim3A_1004 = vector.shape_cast %reduce_min3A_1003 : vector<1024xi32> to vector<1024x1xi32>
    %swap3A = arith.constant 0 : index
    %swap3A_1005 = arith.constant 0 : index
    %swap3A_1006 = vector.load %arg5[%swap3A, %swap3A_1005] : memref<1024x1xi32, #tpu.memory_space<vmem>>, vector<1024x1xi32>
    tpu.vector_store %arg5[%swap3A, %swap3A_1005], %broadcast_in_dim3A_1004 {strides = array<i32>} : memref<1024x1xi32, #tpu.memory_space<vmem>>, vector<1024x1xi32>,
    return
  }
  func.func @transform_0(%arg0: i32) -> (i32, i32) {
    %c0_i32 = arith.constant 0 : i32
    %c0_i32_0 = arith.constant 0 : i32
    return %arg0, %c0_i32 : i32, i32
  }
  func.func @transform_1(%arg0: i32) -> (i32, i32) {
    %c0_i32 = arith.constant 0 : i32
    %c0_i32_0 = arith.constant 0 : i32
    return %arg0, %c0_i32 : i32, i32
  }
  func.func @transform_2(%arg0: i32) -> (i32, i32) {
    %c0_i32 = arith.constant 0 : i32
    %c0_i32_0 = arith.constant 0 : i32
    %c0_i32_1 = arith.constant 0 : i32
    return %c0_i32, %c0_i32_0 : i32, i32
  }
  func.func @transform_3(%arg0: i32) -> (i32, i32) {
    %c0_i32 = arith.constant 0 : i32
    %c0_i32_0 = arith.constant 0 : i32
    %c0_i32_1 = arith.constant 0 : i32
    return %c0_i32, %c0_i32_0 : i32, i32
  }
  func.func @transform_4(%arg0: i32) -> (i32, i32) {
    %c0_i32 = arith.constant 0 : i32
    %c0_i32_0 = arith.constant 0 : i32
    return %arg0, %c0_i32 : i32, i32
  }
}

module attributes {stable_mosaic.version = 14 : i64} {
  func.func @_st_loss_body(%arg0: i32, %arg1: memref<1024x256xf32, #tpu.memory_space<vmem>>, %arg2: memref<1024x256xf32, #tpu.memory_space<vmem>>, %arg3: memref<1024x256xf32, #tpu.memory_space<vmem>>, %arg4: memref<1x1xf32, #tpu.memory_space<smem>>, %arg5: memref<1x1xf32, #tpu.memory_space<smem>>) attributes {dimension_semantics = [#tpu.dimension_semantics<arbitrary>], iteration_bounds = array<i64: 8>, scalar_prefetch = 0 : i64, scratch_operands = 1 : i64, tpu.core_type = #tpu.core_type<tc>, window_params = [{transform_indices = @transform_0, window_bounds = array<i64: 1024, 256>}, {transform_indices = @transform_1, window_bounds = array<i64: 1024, 256>}, {transform_indices = @transform_2, window_bounds = array<i64: 1024, 256>}, {transform_indices = @transform_3, window_bounds = array<i64: 1, 1>}]} {
    %get3A = arith.constant 0 : index
    %get3A_0 = arith.constant 0 : index
    %get3A_1 = vector.load %arg1[%get3A, %get3A_0] : memref<1024x256xf32, #tpu.memory_space<vmem>>, vector<1024x256xf32>
    %get3A_2 = arith.constant 0 : index
    %get3A_3 = arith.constant 0 : index
    %get3A_4 = vector.load %arg2[%get3A_2, %get3A_3] : memref<1024x256xf32, #tpu.memory_space<vmem>>, vector<1024x256xf32>
    %sub3A = arith.subf %get3A_4, %get3A_1 : vector<1024x256xf32>
    %add3A = arith.addf %get3A_1, %sub3A : vector<1024x256xf32>
    %swap3A = arith.constant 0 : index
    %swap3A_5 = arith.constant 0 : index
    %swap3A_6 = vector.load %arg3[%swap3A, %swap3A_5] : memref<1024x256xf32, #tpu.memory_space<vmem>>, vector<1024x256xf32>
    tpu.vector_store %arg3[%swap3A, %swap3A_5], %add3A {strides = array<i32>} : memref<1024x256xf32, #tpu.memory_space<vmem>>, vector<1024x256xf32>,
    %mul3A = arith.mulf %sub3A, %sub3A : vector<1024x256xf32>
    %reduce_sum3A = vector.shape_cast %mul3A : vector<1024x256xf32> to vector<1x1024x256xf32>
    %reduce_sum3A_7 = arith.constant dense<0.000000e+00> : vector<1xf32>
    %reduce_sum3A_8 = vector.multi_reduction <add>, %reduce_sum3A, %reduce_sum3A_7 [1, 2] : vector<1x1024x256xf32> to vector<1xf32>
    %reduce_sum3A_9 = vector.shape_cast %reduce_sum3A_8 : vector<1xf32> to vector<1x1x1xf32>
    %reduce_sum3A_10 = vector.extract %reduce_sum3A_9[0, 0, 0] : f32 from vector<1x1x1xf32>
    %eq3A = arith.constant 0 : i32
    %eq3A_11 = arith.cmpi eq, %arg0, %eq3A : i32
    %convert_element_type3A = arith.extui %eq3A_11 : i1 to i32
    %cond3A = arith.constant 0 : i32
    %cond3A_12 = arith.cmpi ne, %convert_element_type3A, %cond3A : i32
    scf.if %cond3A_12 {
      %swap3A_25 = arith.constant 0.000000e+00 : f32
      %swap3A_26 = arith.constant 0 : index
      %swap3A_27 = arith.constant 0 : index
      %swap3A_28 = memref.load %arg5[%swap3A_26, %swap3A_27] : memref<1x1xf32, #tpu.memory_space<smem>>
      memref.store %swap3A_25, %arg5[%swap3A_26, %swap3A_27] : memref<1x1xf32, #tpu.memory_space<smem>>
    } else {
    }
    %get3A_13 = arith.constant 0 : index
    %get3A_14 = arith.constant 0 : index
    %get3A_15 = memref.load %arg5[%get3A_13, %get3A_14] : memref<1x1xf32, #tpu.memory_space<smem>>
    %add3A_16 = arith.addf %get3A_15, %reduce_sum3A_10 : f32
    %swap3A_17 = arith.constant 0 : index
    %swap3A_18 = arith.constant 0 : index
    %swap3A_19 = memref.load %arg5[%swap3A_17, %swap3A_18] : memref<1x1xf32, #tpu.memory_space<smem>>
    memref.store %add3A_16, %arg5[%swap3A_17, %swap3A_18] : memref<1x1xf32, #tpu.memory_space<smem>>
    %eq3A_20 = arith.constant 7 : i32
    %eq3A_21 = arith.cmpi eq, %arg0, %eq3A_20 : i32
    %convert_element_type3A_22 = arith.extui %eq3A_21 : i1 to i32
    %cond3A_23 = arith.constant 0 : i32
    %cond3A_24 = arith.cmpi ne, %convert_element_type3A_22, %cond3A_23 : i32
    scf.if %cond3A_24 {
      %get3A_25 = arith.constant 0 : index
      %get3A_26 = arith.constant 0 : index
      %get3A_27 = memref.load %arg5[%get3A_25, %get3A_26] : memref<1x1xf32, #tpu.memory_space<smem>>
      %mul3A_28 = arith.constant 4.76837158E-7 : f32
      %mul3A_29 = arith.mulf %get3A_27, %mul3A_28 : f32
      %mul3A_30 = arith.constant 2.500000e-01 : f32
      %mul3A_31 = arith.mulf %mul3A_30, %mul3A_29 : f32
      %add3A_32 = arith.addf %mul3A_31, %mul3A_29 : f32
      %swap3A_33 = arith.constant 0 : index
      %swap3A_34 = arith.constant 0 : index
      %swap3A_35 = memref.load %arg4[%swap3A_33, %swap3A_34] : memref<1x1xf32, #tpu.memory_space<smem>>
      memref.store %add3A_32, %arg4[%swap3A_33, %swap3A_34] : memref<1x1xf32, #tpu.memory_space<smem>>
    } else {
    }
    return
  }
  func.func @transform_0(%arg0: i32) -> (i32, i32) {
    %c0_i32 = arith.constant 0 : i32
    %c0_i32_0 = arith.constant 0 : i32
    return %arg0, %c0_i32 : i32, i32
  }
  func.func @transform_1(%arg0: i32) -> (i32, i32) {
    %c0_i32 = arith.constant 0 : i32
    %c0_i32_0 = arith.constant 0 : i32
    return %arg0, %c0_i32 : i32, i32
  }
  func.func @transform_2(%arg0: i32) -> (i32, i32) {
    %c0_i32 = arith.constant 0 : i32
    %c0_i32_0 = arith.constant 0 : i32
    return %arg0, %c0_i32 : i32, i32
  }
  func.func @transform_3(%arg0: i32) -> (i32, i32) {
    %c0_i32 = arith.constant 0 : i32
    %c0_i32_0 = arith.constant 0 : i32
    %c0_i32_1 = arith.constant 0 : i32
    return %c0_i32, %c0_i32_0 : i32, i32
  }
}

</mosaic_0001>

<sc_bundles>
// kernel: kernel.5.cloned.1.call-start
scs
__scs_entry_jumppad:
0x0: {  	(pc) =	sbr.rel $0x88, $3  }
0x1: {  	(tag) =	ssettag $0x0;
	lr =	simm.s32 $0x1  }
0x2: {  	[smem:$0x3F9F] =	sst lr;
	_ =	strace $0xD0000000  }
0x3: {  	_ = 	snop  }
0x4: {  	_ = 	snop  }
0x5: {  	_ = 	snop  }
0x6: {  	_ = 	snop  }
0x7: {  	_ = 	snop  }
__scs_overlays_trampoline_lowered:
0x8: {  	[smem:$0x3FAE] =	sst s0  }
0x9: {  	[smem:$0x3FAF] =	sst s1  }
0xa: {  	[smem:$0x3FB0] =	sst s2  }
0xb: {  	[smem:$0x3FB1] =	sst s3  }
0xc: {  	[smem:$0x3FB2] =	sst s4  }
0xd: {  	[smem:$0x3FB3] =	sst s5  }
0xe: {  	[smem:$0x3FB4] =	sst s6  }
0xf: {  	[smem:$0x3FB5] =	sst s7  }
0x10: {  	[smem:$0x3FB6] =	sst s8  }
0x11: {  	[smem:$0x3FB7] =	sst s9;
	s0 =	simm.s32 @!p0 $0x0  }
0x12: {  	s1 =	sld [smem:$0x3F9D];
	s0 =	simm.s32 @p0 $0x1  }
0x13: {  	[smem:$0x3FB8] =	sst s0;
	s0 =	simm.s32 @!p1 $0x0  }
0x14: {  	s2 =	sld [smem:$0x3F9C];
	s0 =	simm.s32 @p1 $0x1  }
0x15: {  	[smem:$0x3FB9] =	sst s0;
	s0 =	simm.s32 @!p2 $0x0  }
0x16: {  	s3 =	sld [smem:$0x3FDB];
	s0 =	simm.s32 @p2 $0x1  }
0x17: {  	s4 =	simm.s32 $0x1BF5;
	[smem:$0x3FBB] =	sst s0  }
0x18: {  	s0 =	sld [smem:$0x3F9E];
	_ =	swait.ge [sflag:s4], $0x0  }
0x19: {  	s7 =	sld [smem:$0x3F9F]  }
0x1a: {  	s8 =	sadd.s32 $0xFFFFE003, lr  }
0x1b: {  	s9 =	sadd.s32 $0xFFFFFEF7, lr;
	s5 =	simm.s32 $0xFFFFFFFF;
	p2 =	slt.u32 s8, $0xFFFFF086  }
0x1c: {  	p1 =	slt.u32 s9, $0xF7A;
	s5 =	simm.s32 @!p2 $0x0  }
0x1d: {  	s5 =	simm.s32 @p1 $0x1;
	p0 =	seq.s32 s7, s2  }
0x1e: {  	s7 =	smul.u32 @!p0 $0xF7A, s2;
	p2 =	seq.s32 @!p0 s5, $0x0  }
0x1f: {  	s9 =	smul.u32 $0xF7A, s1;
	s8 =	simm.s32 @!p0 $0x1BF5;
	p2 =	por !p2, p0  }
0x20: {  	[sflag:s8] =	ssyncset.s32 @!p0 $0xFFFFF086;
	s6 =	sadd.s32 @!p0 s3, s7;
	s7 =	simm.s32 @!p0 $0x108  }
0x21: {  	s3 =	sadd.s32 s3, s9;
	s6 =	sadd.s32 @!p0 $0x88, s6;
	s7 =	simm.s32 @p2 $0x1082  }
0x22: {  	[simem:s7], [sflag:s8] =	dma.local @!p0 [hbm:s6], $0xF7A  }
0x23: {  	s9 =	sor.u32 $0xD0000000, s2;
	s6 =	simm.s32 $0x108;
	_ =	swait.ge @!p0 [sflag:s8], $0x0  }
0x24: {  	s3 =	sadd.s32 $0x88, s3;
	s6 =	simm.s32 @!p1 $0x1082;
	[sflag:s4] =	ssyncset.s32 $0xFFFFF086  }
0x25: {  	[simem:s6], [sflag:s4] =	dma.local [hbm:s3], $0xF7A  }
0x26: {  	[smem:$0x3F9F] =	sst s1;
	(tag) =	ssettag s2;
	_ =	strace s9  }
0x27: {  	s1 =	sld [smem:$0x3FAF]  }
0x28: {  	s2 =	sld [smem:$0x3FB0]  }
0x29: {  	s4 =	sld [smem:$0x3FB2]  }
0x2a: {  	p0 =	seq.s32 s5, $0x0;
	s5 =	sld [smem:$0x3FB3]  }
0x2b: {  	s6 =	sld [smem:$0x3FB4]  }
0x2c: {  	s7 =	sld [smem:$0x3FB5]  }
0x2d: {  	s3 =	simm.s32 $0x108;
	s8 =	sld [smem:$0x3FB6]  }
0x2e: {  	s3 =	simm.s32 @!p0 $0x1082;
	s9 =	sld [smem:$0x3FB7]  }
0x2f: {  	lr =	sadd.s32 s0, s3;
	s0 =	sld [smem:$0x3FAE]  }
0x30: {  	s3 =	sld [smem:$0x3FB1]  }
0x31: {  	[smem:$0x3FBA] =	sst s10  }
0x32: {  	s10 =	sld [smem:$0x3FB8];
	_ =	sdelay $0x3  }
0x33: {  	p0 =	seq.s32 s10, $0x1;
	s10 =	sld [smem:$0x3FBA];
	_ =	sdelay $0x3  }
0x34: {  	[smem:$0x3FBA] =	sst s10  }
0x35: {  	s10 =	sld [smem:$0x3FB9];
	_ =	sdelay $0x3  }
0x36: {  	p1 =	seq.s32 s10, $0x1;
	s10 =	sld [smem:$0x3FBA];
	_ =	sdelay $0x3  }
0x37: {  	[smem:$0x3FBA] =	sst s10  }
0x38: {  	s10 =	sld [smem:$0x3FBB]  }
0x39: {  	_ = 	snop;
	(pc) =	sbr.ind lr, $3  }
0x3a: {  	_ = 	snop  }
0x3b: {  	_ = 	snop  }
0x3c: {  	p2 =	seq.s32 s10, $0x1;
	s10 =	sld [smem:$0x3FBA]  }
0x3d: {  	_ =	shalt  }
0x3e: {  	_ =	shalt  }
0x3f: {  	_ =	shalt  }
0x40: {  	_ =	shalt  }
0x41: {  	_ =	shalt  }
0x42: {  	_ =	shalt  }
0x43: {  	_ =	shalt  }
0x44: {  	_ =	shalt  }
0x45: {  	_ =	shalt  }
0x46: {  	_ =	shalt  }
0x47: {  	_ =	shalt  }
0x48: {  	_ =	shalt  }
0x49: {  	_ =	shalt  }
0x4a: {  	_ =	shalt  }
0x4b: {  	_ =	shalt  }
0x4c: {  	_ =	shalt  }
0x4d: {  	_ =	shalt  }
0x4e: {  	_ =	shalt  }
0x4f: {  	_ =	shalt  }
0x50: {  	_ =	shalt  }
0x51: {  	_ =	shalt  }
0x52: {  	_ =	shalt  }
0x53: {  	_ =	shalt  }
0x54: {  	_ =	shalt  }
0x55: {  	_ =	shalt  }
0x56: {  	_ =	shalt  }
0x57: {  	_ =	shalt  }
0x58: {  	_ =	shalt  }
0x59: {  	_ =	shalt  }
0x5a: {  	_ =	shalt  }
0x5b: {  	_ =	shalt  }
0x5c: {  	_ =	shalt  }
0x5d: {  	_ =	shalt  }
0x5e: {  	_ =	shalt  }
0x5f: {  	_ =	shalt  }
0x60: {  	_ =	shalt  }
0x61: {  	_ =	shalt  }
0x62: {  	_ =	shalt  }
0x63: {  	_ =	shalt  }
0x64: {  	_ =	shalt  }
0x65: {  	_ =	shalt  }
0x66: {  	_ =	shalt  }
0x67: {  	_ =	shalt  }
0x68: {  	_ =	shalt  }
0x69: {  	_ =	shalt  }
0x6a: {  	_ =	shalt  }
0x6b: {  	_ =	shalt  }
0x6c: {  	_ =	shalt  }
0x6d: {  	_ =	shalt  }
0x6e: {  	_ =	shalt  }
0x6f: {  	_ =	shalt  }
0x70: {  	_ =	shalt  }
0x71: {  	_ =	shalt  }
0x72: {  	_ =	shalt  }
0x73: {  	_ =	shalt  }
0x74: {  	_ =	shalt  }
0x75: {  	_ =	shalt  }
0x76: {  	_ =	shalt  }
0x77: {  	_ =	shalt  }
0x78: {  	_ =	shalt  }
0x79: {  	_ =	shalt  }
0x7a: {  	_ =	shalt  }
0x7b: {  	_ =	shalt  }
0x7c: {  	_ =	shalt  }
0x7d: {  	_ =	shalt  }
0x7e: {  	_ =	shalt  }
0x7f: {  	_ =	shalt  }
0x80: {  	_ =	shalt  }
0x81: {  	_ =	shalt  }
0x82: {  	_ =	shalt  }
0x83: {  	_ =	shalt  }
0x84: {  	_ =	shalt  }
0x85: {  	_ =	shalt  }
0x86: {  	_ =	shalt  }
0x87: {  	_ =	shalt  }
.Lfunc_end0:
.L_simem_size_0:
called_computation_lowered:
.L_overlay_start_0:
0x88: {  	s2 =	sld [smem:$0x3FD9]  }
0x89: {  	s3 =	sld [smem:$0x3FFE];
	_ =	sdelay $0x1  }
0x8a: {  	s1 =	srdreg.scid  }
0x8b: {  	s0 =	sand.u32 $0x1, s1  }
0x8c: {  	s14 =	sshll.u32 s0, $0xA;
	s2 =	sadd.s32 s3, s2  }
0x8d: {  	s2 =	sadd.s32 s2, s14  }
0x8e: {  	[smem:$0x3FC6] =	sst s2  }
0x8f: {  	_ = 	snop  }
0x90: {  	s2 =	sld [smem:$0x3FD0];
	_ =	sdelay $0x2  }
0x91: {  	s4 =	simm.s32 $0xA;
	s5 =	simm.s32 $0x10;
	s15 =	sld [smem:$0x3FC8]  }
0x92: {  	[smem:s5], [sflag:s4] =	dma.local [hbm:s2], $0x1  }
0x93: {  	_ =	swait.eq [sflag:s4], $0x1  }
0x94: {  	[sflag:s4] =	ssyncset.done $0x0  }
0x95: {  	[sflag:s4] =	ssyncadd.s32 $0xFFFFFFFF  }
0x96: {  	s16 =	sld [smem:$0x10];
	(tm) =	ssettm $0x1  }
0x97: {  	s17 =	sld [smem:$0x3FFB];
	_ =	sdelay $0x3  }
0x98: {  	_ =	strace s17  }
0x99: {  	s4 =	sld [smem:$0x3FFC];
	_ =	sdelay $0x3  }
0x9a: {  	_ =	strace s4  }
0x9b: {  	s4 =	sld [smem:$0x3FFD];
	_ =	sdelay $0x3  }
0x9c: {  	_ =	strace s4  }
0x9d: {  	_ =	strace $0x8FFFFFFF  }
0x9e: {  	s18 =	sld [smem:$0x3FDB];
	_ =	sdelay $0x1  }
0x9f: {  	s19 =	simm.s32 $_scs_section_size  }
0xa0: {  	s6 =	simm.s32 $_size__tile_overlayer_lowered;
	s7 =	simm.s32 $_tile_overlayer_lowered  }
0xa1: {  	s22 =	simm.s32 $0x1BFF;
	s21 =	sshll.u32 s7, $0x1;
	s4 =	sadd.s32 s19, s18  }
0xa2: {  	s8 =	simm.s32 $0x0;
	s20 =	sshll.u32 s6, $0x1;
	s6 =	sadd.s32 s21, s4  }
0xa3: {  	[timem:s8], [sflag:s22] =	dma.local [hbm:s6], s20  }
0xa4: {  	_ =	swait.ge [sflag:s22], s20  }
0xa5: {  	s5 =	ssub.s32 $0x0, s20;
	[sflag:s22] =	ssyncset.done $0x0  }
0xa6: {  	[sflag:s22] =	ssyncadd.s32 s5;
	_ =	sdelay $0x1  }
0xa7: {  	s23 =	simm.s32 $0x1B8B  }
0xa8: {  	_ =	swait.ge [sflag:s23], $0x1  }
0xa9: {  	[sflag:s23] =	ssyncset.done $0x0  }
0xaa: {  	s25 =	simm.s32 $0x1B8E;
	s24 =	sld [smem:$0x3FFE];
	[sflag:s23] =	ssyncadd.s32 $0xFFFFFFFF  }
0xab: {  	s26 =	simm.s32 $execute0_lowered;
	[smem:$0x3FD2] =	sst s25  }
0xac: {  	s6 =	sshll.u32 s26, $0x1;
	_ =	strace $0x80000046;
	[dreg:$0x1] =	wrdreg $0xFFFFFFFF  }
0xad: {  	s28 =	simm.s32 $_size_execute0_lowered;
	s4 =	sadd.s32 s4, s6;
	[dreg:$0x0] =	wrdreg $0x0  }
0xae: {  	s6 =	sshll.u32 s28, $0x1;
	[dreg:$0x2] =	wrdreg s4  }
0xaf: {  	[dreg:$0x3] =	wrdreg s6  }
0xb0: {  	[dreg:$0x4] =	wrdreg $0xC0  }
0xb1: {  	_ =	task [dreg:s8], $0x5FFFF  }
0xb2: {  	[dreg:$0x1] =	wrdreg $0xFFFFFFFF  }
0xb3: {  	[dreg:$0x0] =	wrdreg $0x60  }
0xb4: {  	[dreg:$0x2] =	wrdreg s15  }
0xb5: {  	[dreg:$0x3] =	wrdreg s24  }
0xb6: {  	[dreg:$0x4] =	wrdreg s16  }
0xb7: {  	[dreg:$0x5] =	wrdreg $0x9  }
0xb8: {  	_ =	task.clear_ibuf [dreg:s8], $0x6FFFF;
	_ =	strace $0x90000046  }
0xb9: {  	s29 =	simm.s32 $0x9;
	_ =	strace $0x80000048  }
0xba: {  	_ =	swait.ge [sflag:s29], $0x1  }
0xbb: {  	[sflag:s29] =	ssyncadd.s32 $0xFFFFFFFF  }
0xbc: {  	_ =	strace $0x90000048  }
0xbd: {  	_ =	sfence  }
0xbe: {  	s30 =	sld [smem:$0x0];
	_ =	sdelay $0x2  }
0xbf: {  	s31 =	sshll.u32 s1, $0xD;
	s1 =	sshrl.u32 s1, $0x2  }
0xc0: {  	s3 =	sand.u32 $0x4000, s31;
	s1 =	sadd.s32 s1, s30  }
0xc1: {  	s0 =	sor.u32 s3, s0;
	s1 =	sshll.u32 s1, $0x11  }
0xc2: {  	s0 =	sor.u32 s1, s0  }
0xc3: {  	s0 =	sadd.s32 $0x8F2B, s0  }
0xc4: {  	[sflag:s0] =	ssyncadd.remote.s32 $0x1  }
0xc5: {  	_ =	sfence.sel $0xFFFF  }
0xc6: {  	[dreg:$0x0] =	wrdreg $0xFFFFFFFF;
	(pc) =	sbr.abs _section_cstart, $3  }
0xc7: {  	[dreg:$0x1] =	wrdreg $0xFFFFFFFF  }
0xc8: {  	_ =	task.clear_ibuf [dreg:s8], $0x2FFFF;
	_ =	strace $0x9FFFFFFF  }
0xc9: {  	(tm) =	ssettm $0x7FFFFFFF  }
tec
execute0_lowered:
.L_overlay_start_1:
0x0: {  	(tag) =	ssettag $0x1  }
0x1: {  	s1 =	rddreg [dreg:$0x0]  }
0x2: {  	s4 =	rddreg [dreg:$0x1]  }
0x3: {  	s7 =	rddreg [dreg:$0x2]  }
0x4: {  	s0 =	rddreg [dreg:$0x3];
	s3 =	simm.s32 $0x0;
	s5 =	srdreg.scid  }
0x5: {  	s2 =	stileid.u32;
	s11 =	simm.s32 $0x880;
	s12 =	simm.s32 $0x1080  }
0x6: {  	s13 =	simm.s32 $0x1880;
	s14 =	simm.s32 $0x2080;
	s15 =	simm.s32 $0x2880  }
0x7: {  	s16 =	simm.s32 $0x3080;
	s17 =	simm.s32 $0x3880;
	s18 =	simm.s32 $0x4080  }
0x8: {  	s19 =	simm.s32 $0x4880;
	s20 =	simm.s32 $0x5080;
	s21 =	simm.s32 $0x5880  }
0x9: {  	s22 =	simm.s32 $0x6080;
	s23 =	simm.s32 $0x6880;
	s24 =	simm.s32 $0x7080  }
0xa: {  	s25 =	simm.s32 $0x7880;
	s26 =	simm.s32 $0x1;
	s5 =	sand.u32 $0x1, s5  }
0xb: {  	[smem:$0x7FF] =	sst s3;
	s8 =	sshll.u32 s2, $0x9;
	s6 =	ssub.s32 $0x2, s5  }
0xc: {  	s28 =	sadd.s32 $0x400, s4;
	s5 =	sshll.u32 s5, $0x8;
	s9 =	sshrl.u32 s6, $0x1  }
0xd: {  	_ =	strace $0x80000047;
	s5 =	sor.u32 s5, s8;
	s9 =	ssub.s32 s6, s9  }
0xe: {  	s29 =	sshrl.u32 s5, $0x3;
	s30 =	sshll.u32 s5, $0x5;
	s10 =	sor.u32 $0x80, s5  }
0xf: {  	v2 =	vlaneseq.u32;
	s4 =	sadd.s32 s28, s29;
	s5 =	sadd.s32 s7, s30;
	s31 =	sshrl.u32 s10, $0x3  }
0x10: {  	vm0 =	vmmov $0xffff;
	v1 =	vshrl.u32 v2, $0x3;
	s10 =	sshll.u32 s10, $0x5;
	s8 =	smax.u32 s9, $0x1;
	s9 =	simm.s32 $0x2  }
0x11: {  	v0 =	vand.u32 $0x7, v2;
	v2 =	vor.u32 $0x8, v2;
	v1 =	vmul.u32 $0x8, v1;
	s6 =	sadd.s32 s28, s31;
	s7 =	sadd.s32 s7, s10;
	s10 =	simm.s32 $0x80  }
.LBB2_1:
0x12: {  	[tilespmem:s3], [sflag:$0x2] =	stream.linear.gather [hbm4b:s4+s3], $0x80, $0x38;
	[tilespmem:$0x8080] =	vst v63  }
0x13: {  	_ =	swait.ge [sflag:s9], $0x80  }
0x14: {  	[sflag:s9] =	ssyncset.done $0x0  }
0x15: {  	[sflag:s9] =	ssyncadd.s32 $0xFFFFFF80  }
0x16: {  	v3 =	vld [tilespmem:$0x0];
	_ =	sdelay $0x4  }
0x17: {  	v4 =	vshll.u32 v3, $0x1  }
0x18: {  	v3 =	vand.u32 $0x7, v3;
	v4 =	vand.u32 $0xFFFFFFF0, v4  }
0x19: {  	v3 =	vor.u32 v3, v4  }
0x1a: {  	v4 =	vperm.xlane v3, v0;
	_ =	sdelay $0x1  }
0x1b: {  	v3 =	vperm.xlane v3, v2;
	v4 =	vadd.s32 v1, v4;
	_ =	sdelay $0x1  }
0x1c: {  	v3 =	vadd.s32 v1, v3;
	_ =	sdelay $0x2  }
0x1d: {  	[tilespmem:s10], [sflag:$0x1] =	stream.indirect_vreg.gather [hbm4b:s1+s3], $0x80, v4, vm0, $0xb8;
	[tilespmem:$0x8080] =	vst v63  }
0x1e: {  	_ = 	snop  }
0x1f: {  	[tilespmem:s11], [sflag:$0x1] =	stream.indirect_vreg.gather [hbm4b:s1+s3], $0x80, v3, vm0, $0xb8;
	[tilespmem:$0x8080] =	vst v63  }
0x20: {  	v3 =	vld [tilespmem:$0x10];
	_ =	sdelay $0x4  }
0x21: {  	v49 =	vshll.u32 v3, $0x1  }
0x22: {  	v3 =	vand.u32 $0x7, v3;
	v4 =	vand.u32 $0xFFFFFFF0, v49  }
0x23: {  	v3 =	vor.u32 v3, v4  }
0x24: {  	v4 =	vperm.xlane v3, v0;
	_ =	sdelay $0x1  }
0x25: {  	v3 =	vperm.xlane v3, v2;
	v4 =	vadd.s32 v1, v4;
	_ =	sdelay $0x1  }
0x26: {  	v3 =	vadd.s32 v1, v3;
	_ =	sdelay $0x2  }
0x27: {  	[tilespmem:s12], [sflag:$0x1] =	stream.indirect_vreg.gather [hbm4b:s1+s3], $0x80, v4, vm0, $0xb8;
	[tilespmem:$0x8080] =	vst v63  }
0x28: {  	_ = 	snop  }
0x29: {  	[tilespmem:s13], [sflag:$0x1] =	stream.indirect_vreg.gather [hbm4b:s1+s3], $0x80, v3, vm0, $0xb8;
	[tilespmem:$0x8080] =	vst v63  }
0x2a: {  	v3 =	vld [tilespmem:$0x20];
	_ =	sdelay $0x4  }
0x2b: {  	v50 =	vshll.u32 v3, $0x1  }
0x2c: {  	v3 =	vand.u32 $0x7, v3;
	v4 =	vand.u32 $0xFFFFFFF0, v50  }
0x2d: {  	v3 =	vor.u32 v3, v4  }
0x2e: {  	v4 =	vperm.xlane v3, v0;
	_ =	sdelay $0x1  }
0x2f: {  	v3 =	vperm.xlane v3, v2;
	v4 =	vadd.s32 v1, v4;
	_ =	sdelay $0x1  }
0x30: {  	v3 =	vadd.s32 v1, v3;
	_ =	sdelay $0x2  }
0x31: {  	[tilespmem:s14], [sflag:$0x1] =	stream.indirect_vreg.gather [hbm4b:s1+s3], $0x80, v4, vm0, $0xb8;
	[tilespmem:$0x8080] =	vst v63  }
0x32: {  	_ = 	snop  }
0x33: {  	[tilespmem:s15], [sflag:$0x1] =	stream.indirect_vreg.gather [hbm4b:s1+s3], $0x80, v3, vm0, $0xb8;
	[tilespmem:$0x8080] =	vst v63  }
0x34: {  	v3 =	vld [tilespmem:$0x30];
	_ =	sdelay $0x4  }
0x35: {  	v51 =	vshll.u32 v3, $0x1  }
0x36: {  	v3 =	vand.u32 $0x7, v3;
	v4 =	vand.u32 $0xFFFFFFF0, v51  }
0x37: {  	v3 =	vor.u32 v3, v4  }
0x38: {  	v4 =	vperm.xlane v3, v0;
	_ =	sdelay $0x1  }
0x39: {  	v3 =	vperm.xlane v3, v2;
	v4 =	vadd.s32 v1, v4;
	_ =	sdelay $0x1  }
0x3a: {  	v3 =	vadd.s32 v1, v3;
	_ =	sdelay $0x2  }
0x3b: {  	[tilespmem:s16], [sflag:$0x1] =	stream.indirect_vreg.gather [hbm4b:s1+s3], $0x80, v4, vm0, $0xb8;
	[tilespmem:$0x8080] =	vst v63  }
0x3c: {  	_ = 	snop  }
0x3d: {  	[tilespmem:s17], [sflag:$0x1] =	stream.indirect_vreg.gather [hbm4b:s1+s3], $0x80, v3, vm0, $0xb8;
	[tilespmem:$0x8080] =	vst v63  }
0x3e: {  	v3 =	vld [tilespmem:$0x40];
	_ =	sdelay $0x4  }
0x3f: {  	v52 =	vshll.u32 v3, $0x1  }
0x40: {  	v3 =	vand.u32 $0x7, v3;
	v4 =	vand.u32 $0xFFFFFFF0, v52  }
0x41: {  	v3 =	vor.u32 v3, v4  }
0x42: {  	v4 =	vperm.xlane v3, v0;
	_ =	sdelay $0x1  }
0x43: {  	v3 =	vperm.xlane v3, v2;
	v4 =	vadd.s32 v1, v4;
	_ =	sdelay $0x1  }
0x44: {  	v3 =	vadd.s32 v1, v3;
	_ =	sdelay $0x2  }
0x45: {  	[tilespmem:s18], [sflag:$0x1] =	stream.indirect_vreg.gather [hbm4b:s1+s3], $0x80, v4, vm0, $0xb8;
	[tilespmem:$0x8080] =	vst v63  }
0x46: {  	_ = 	snop  }
0x47: {  	[tilespmem:s19], [sflag:$0x1] =	stream.indirect_vreg.gather [hbm4b:s1+s3], $0x80, v3, vm0, $0xb8;
	[tilespmem:$0x8080] =	vst v63  }
0x48: {  	v3 =	vld [tilespmem:$0x50];
	_ =	sdelay $0x4  }
0x49: {  	v53 =	vshll.u32 v3, $0x1  }
0x4a: {  	v3 =	vand.u32 $0x7, v3;
	v4 =	vand.u32 $0xFFFFFFF0, v53  }
0x4b: {  	v3 =	vor.u32 v3, v4  }
0x4c: {  	v4 =	vperm.xlane v3, v0;
	_ =	sdelay $0x1  }
0x4d: {  	v3 =	vperm.xlane v3, v2;
	v4 =	vadd.s32 v1, v4;
	_ =	sdelay $0x1  }
0x4e: {  	v3 =	vadd.s32 v1, v3;
	_ =	sdelay $0x2  }
0x4f: {  	[tilespmem:s20], [sflag:$0x1] =	stream.indirect_vreg.gather [hbm4b:s1+s3], $0x80, v4, vm0, $0xb8;
	[tilespmem:$0x8080] =	vst v63  }
0x50: {  	_ = 	snop  }
0x51: {  	[tilespmem:s21], [sflag:$0x1] =	stream.indirect_vreg.gather [hbm4b:s1+s3], $0x80, v3, vm0, $0xb8;
	[tilespmem:$0x8080] =	vst v63  }
0x52: {  	v3 =	vld [tilespmem:$0x60];
	_ =	sdelay $0x4  }
0x53: {  	v54 =	vshll.u32 v3, $0x1  }
0x54: {  	v3 =	vand.u32 $0x7, v3;
	v4 =	vand.u32 $0xFFFFFFF0, v54  }
0x55: {  	v3 =	vor.u32 v3, v4  }
0x56: {  	v4 =	vperm.xlane v3, v0;
	_ =	sdelay $0x1  }
0x57: {  	v3 =	vperm.xlane v3, v2;
	v4 =	vadd.s32 v1, v4;
	_ =	sdelay $0x1  }
0x58: {  	v3 =	vadd.s32 v1, v3;
	_ =	sdelay $0x2  }
0x59: {  	[tilespmem:s22], [sflag:$0x1] =	stream.indirect_vreg.gather [hbm4b:s1+s3], $0x80, v4, vm0, $0xb8;
	[tilespmem:$0x8080] =	vst v63  }
0x5a: {  	_ = 	snop  }
0x5b: {  	[tilespmem:s23], [sflag:$0x1] =	stream.indirect_vreg.gather [hbm4b:s1+s3], $0x80, v3, vm0, $0xb8;
	[tilespmem:$0x8080] =	vst v63  }
0x5c: {  	v3 =	vld [tilespmem:$0x70];
	_ =	sdelay $0x4  }
0x5d: {  	v55 =	vshll.u32 v3, $0x1  }
0x5e: {  	v3 =	vand.u32 $0x7, v3;
	v4 =	vand.u32 $0xFFFFFFF0, v55  }
0x5f: {  	v3 =	vor.u32 v3, v4  }
0x60: {  	v4 =	vperm.xlane v3, v0;
	_ =	sdelay $0x1  }
0x61: {  	v3 =	vperm.xlane v3, v2;
	v4 =	vadd.s32 v1, v4;
	_ =	sdelay $0x1  }
0x62: {  	v3 =	vadd.s32 v1, v3;
	_ =	sdelay $0x2  }
0x63: {  	[tilespmem:s24], [sflag:$0x1] =	stream.indirect_vreg.gather [hbm4b:s1+s3], $0x80, v4, vm0, $0xb8;
	[tilespmem:$0x8080] =	vst v63  }
0x64: {  	_ = 	snop  }
0x65: {  	[tilespmem:s25], [sflag:$0x1] =	stream.indirect_vreg.gather [hbm4b:s1+s3], $0x80, v3, vm0, $0xb8;
	[tilespmem:$0x8080] =	vst v63  }
0x66: {  	_ =	swait.ge [sflag:s26], $0x8000  }
0x67: {  	[sflag:s26] =	ssyncset.done $0x0  }
0x68: {  	[sflag:s26] =	ssyncadd.s32 $0xFFFF8000  }
0x69: {  	[hbm4b:s5+s3] =	stream.linear.scatter [tilespmem:s10], [sflag:$0x2], $0x8000, $0x38;
	[tilespmem:$0x8080] =	vst v63  }
0x6a: {  	_ =	swait.ge [sflag:s9], $0x8000  }
0x6b: {  	[sflag:s9] =	ssyncset.done $0x0  }
0x6c: {  	[sflag:s9] =	ssyncadd.s32 $0xFFFF8000  }
0x6d: {  	[tilespmem:s3], [sflag:$0x2] =	stream.linear.gather [hbm4b:s6+s3], $0x80, $0x38;
	[tilespmem:$0x8080] =	vst v63  }
0x6e: {  	_ =	swait.ge [sflag:s9], $0x80  }
0x6f: {  	[sflag:s9] =	ssyncset.done $0x0  }
0x70: {  	[sflag:s9] =	ssyncadd.s32 $0xFFFFFF80  }
0x71: {  	v3 =	vld [tilespmem:$0x0];
	_ =	sdelay $0x4  }
0x72: {  	v56 =	vshll.u32 v3, $0x1  }
0x73: {  	v3 =	vand.u32 $0x7, v3;
	v4 =	vand.u32 $0xFFFFFFF0, v56  }
0x74: {  	v3 =	vor.u32 v3, v4  }
0x75: {  	v4 =	vperm.xlane v3, v0;
	_ =	sdelay $0x1  }
0x76: {  	v3 =	vperm.xlane v3, v2;
	v4 =	vadd.s32 v1, v4;
	_ =	sdelay $0x1  }
0x77: {  	v3 =	vadd.s32 v1, v3;
	_ =	sdelay $0x2  }
0x78: {  	[tilespmem:s10], [sflag:$0x1] =	stream.indirect_vreg.gather [hbm4b:s1+s3], $0x80, v4, vm0, $0xb8;
	[tilespmem:$0x8080] =	vst v63  }
0x79: {  	_ = 	snop  }
0x7a: {  	[tilespmem:s11], [sflag:$0x1] =	stream.indirect_vreg.gather [hbm4b:s1+s3], $0x80, v3, vm0, $0xb8;
	[tilespmem:$0x8080] =	vst v63  }
0x7b: {  	v3 =	vld [tilespmem:$0x10];
	_ =	sdelay $0x4  }
0x7c: {  	v57 =	vshll.u32 v3, $0x1  }
0x7d: {  	v3 =	vand.u32 $0x7, v3;
	v4 =	vand.u32 $0xFFFFFFF0, v57  }
0x7e: {  	v3 =	vor.u32 v3, v4  }
0x7f: {  	v4 =	vperm.xlane v3, v0;
	_ =	sdelay $0x1  }
0x80: {  	v3 =	vperm.xlane v3, v2;
	v4 =	vadd.s32 v1, v4;
	_ =	sdelay $0x1  }
0x81: {  	v3 =	vadd.s32 v1, v3;
	_ =	sdelay $0x2  }
0x82: {  	[tilespmem:s12], [sflag:$0x1] =	stream.indirect_vreg.gather [hbm4b:s1+s3], $0x80, v4, vm0, $0xb8;
	[tilespmem:$0x8080] =	vst v63  }
0x83: {  	_ = 	snop  }
0x84: {  	[tilespmem:s13], [sflag:$0x1] =	stream.indirect_vreg.gather [hbm4b:s1+s3], $0x80, v3, vm0, $0xb8;
	[tilespmem:$0x8080] =	vst v63  }
0x85: {  	v3 =	vld [tilespmem:$0x20];
	_ =	sdelay $0x4  }
0x86: {  	v58 =	vshll.u32 v3, $0x1  }
0x87: {  	v3 =	vand.u32 $0x7, v3;
	v4 =	vand.u32 $0xFFFFFFF0, v58  }
0x88: {  	v3 =	vor.u32 v3, v4  }
0x89: {  	v4 =	vperm.xlane v3, v0;
	_ =	sdelay $0x1  }
0x8a: {  	v3 =	vperm.xlane v3, v2;
	v4 =	vadd.s32 v1, v4;
	_ =	sdelay $0x1  }
0x8b: {  	v3 =	vadd.s32 v1, v3;
	_ =	sdelay $0x2  }
0x8c: {  	[tilespmem:s14], [sflag:$0x1] =	stream.indirect_vreg.gather [hbm4b:s1+s3], $0x80, v4, vm0, $0xb8;
	[tilespmem:$0x8080] =	vst v63  }
0x8d: {  	_ = 	snop  }
0x8e: {  	[tilespmem:s15], [sflag:$0x1] =	stream.indirect_vreg.gather [hbm4b:s1+s3], $0x80, v3, vm0, $0xb8;
	[tilespmem:$0x8080] =	vst v63  }
0x8f: {  	v3 =	vld [tilespmem:$0x30];
	_ =	sdelay $0x4  }
0x90: {  	v59 =	vshll.u32 v3, $0x1  }
0x91: {  	v3 =	vand.u32 $0x7, v3;
	v4 =	vand.u32 $0xFFFFFFF0, v59  }
0x92: {  	v3 =	vor.u32 v3, v4  }
0x93: {  	v4 =	vperm.xlane v3, v0;
	_ =	sdelay $0x1  }
0x94: {  	v3 =	vperm.xlane v3, v2;
	v4 =	vadd.s32 v1, v4;
	_ =	sdelay $0x1  }
0x95: {  	v3 =	vadd.s32 v1, v3;
	_ =	sdelay $0x2  }
0x96: {  	[tilespmem:s16], [sflag:$0x1] =	stream.indirect_vreg.gather [hbm4b:s1+s3], $0x80, v4, vm0, $0xb8;
	[tilespmem:$0x8080] =	vst v63  }
0x97: {  	_ = 	snop  }
0x98: {  	[tilespmem:s17], [sflag:$0x1] =	stream.indirect_vreg.gather [hbm4b:s1+s3], $0x80, v3, vm0, $0xb8;
	[tilespmem:$0x8080] =	vst v63  }
0x99: {  	v3 =	vld [tilespmem:$0x40];
	_ =	sdelay $0x4  }
0x9a: {  	v60 =	vshll.u32 v3, $0x1  }
0x9b: {  	v3 =	vand.u32 $0x7, v3;
	v4 =	vand.u32 $0xFFFFFFF0, v60  }
0x9c: {  	v3 =	vor.u32 v3, v4  }
0x9d: {  	v4 =	vperm.xlane v3, v0;
	_ =	sdelay $0x1  }
0x9e: {  	v3 =	vperm.xlane v3, v2;
	v4 =	vadd.s32 v1, v4;
	_ =	sdelay $0x1  }
0x9f: {  	v3 =	vadd.s32 v1, v3;
	_ =	sdelay $0x2  }
0xa0: {  	[tilespmem:s18], [sflag:$0x1] =	stream.indirect_vreg.gather [hbm4b:s1+s3], $0x80, v4, vm0, $0xb8;
	[tilespmem:$0x8080] =	vst v63  }
0xa1: {  	_ = 	snop  }
0xa2: {  	[tilespmem:s19], [sflag:$0x1] =	stream.indirect_vreg.gather [hbm4b:s1+s3], $0x80, v3, vm0, $0xb8;
	[tilespmem:$0x8080] =	vst v63  }
0xa3: {  	v3 =	vld [tilespmem:$0x50];
	_ =	sdelay $0x4  }
0xa4: {  	v61 =	vshll.u32 v3, $0x1  }
0xa5: {  	v3 =	vand.u32 $0x7, v3;
	v4 =	vand.u32 $0xFFFFFFF0, v61  }
0xa6: {  	v3 =	vor.u32 v3, v4  }
0xa7: {  	v4 =	vperm.xlane v3, v0;
	_ =	sdelay $0x1  }
0xa8: {  	v3 =	vperm.xlane v3, v2;
	v4 =	vadd.s32 v1, v4;
	_ =	sdelay $0x1  }
0xa9: {  	v3 =	vadd.s32 v1, v3;
	_ =	sdelay $0x2  }
0xaa: {  	[tilespmem:s20], [sflag:$0x1] =	stream.indirect_vreg.gather [hbm4b:s1+s3], $0x80, v4, vm0, $0xb8;
	[tilespmem:$0x8080] =	vst v63  }
0xab: {  	_ = 	snop  }
0xac: {  	[tilespmem:s21], [sflag:$0x1] =	stream.indirect_vreg.gather [hbm4b:s1+s3], $0x80, v3, vm0, $0xb8;
	[tilespmem:$0x8080] =	vst v63  }
0xad: {  	v3 =	vld [tilespmem:$0x60];
	_ =	sdelay $0x4  }
0xae: {  	v62 =	vshll.u32 v3, $0x1  }
0xaf: {  	v3 =	vand.u32 $0x7, v3;
	v4 =	vand.u32 $0xFFFFFFF0, v62  }
0xb0: {  	v3 =	vor.u32 v3, v4  }
0xb1: {  	v4 =	vperm.xlane v3, v0;
	_ =	sdelay $0x1  }
0xb2: {  	v3 =	vperm.xlane v3, v2;
	v4 =	vadd.s32 v1, v4;
	_ =	sdelay $0x1  }
0xb3: {  	v3 =	vadd.s32 v1, v3;
	_ =	sdelay $0x2  }
0xb4: {  	[tilespmem:s22], [sflag:$0x1] =	stream.indirect_vreg.gather [hbm4b:s1+s3], $0x80, v4, vm0, $0xb8;
	[tilespmem:$0x8080] =	vst v63  }
0xb5: {  	_ = 	snop  }
0xb6: {  	[tilespmem:s23], [sflag:$0x1] =	stream.indirect_vreg.gather [hbm4b:s1+s3], $0x80, v3, vm0, $0xb8;
	[tilespmem:$0x8080] =	vst v63  }
0xb7: {  	v3 =	vld [tilespmem:$0x70];
	_ =	sdelay $0x4  }
0xb8: {  	v63 =	vshll.u32 v3, $0x1  }
0xb9: {  	v3 =	vand.u32 $0x7, v3;
	v4 =	vand.u32 $0xFFFFFFF0, v63  }
0xba: {  	v3 =	vor.u32 v3, v4  }
0xbb: {  	v4 =	vperm.xlane v3, v0;
	_ =	sdelay $0x1  }
0xbc: {  	v3 =	vperm.xlane v3, v2;
	v4 =	vadd.s32 v1, v4;
	_ =	sdelay $0x1  }
0xbd: {  	v3 =	vadd.s32 v1, v3;
	_ =	sdelay $0x2  }
0xbe: {  	[tilespmem:s24], [sflag:$0x1] =	stream.indirect_vreg.gather [hbm4b:s1+s3], $0x80, v4, vm0, $0xb8;
	[tilespmem:$0x8080] =	vst v63  }
0xbf: {  	_ = 	snop  }
0xc0: {  	[tilespmem:s25], [sflag:$0x1] =	stream.indirect_vreg.gather [hbm4b:s1+s3], $0x80, v3, vm0, $0xb8;
	[tilespmem:$0x8080] =	vst v63  }
0xc1: {  	_ =	swait.ge [sflag:s26], $0x8000  }
0xc2: {  	p0 =	sne.s32 s8, $0x1;
	[sflag:s26] =	ssyncset.done $0x0  }
.Ltmp0:
0xc3: {  	[sflag:s26] =	ssyncadd.s32 $0xFFFF8000;
	(pc) =	sbr.rel @p0 .LBB2_1-.Ltmp0, $4  }
0xc4: {  	[hbm4b:s7+s3] =	stream.linear.scatter [tilespmem:s10], [sflag:$0x2], $0x8000, $0x38;
	[tilespmem:$0x8080] =	vst v63  }
0xc5: {  	_ =	swait.ge [sflag:s9], $0x8000  }
0xc6: {  	[sflag:s9] =	ssyncset.done $0x0  }
0xc7: {  	s8 =	sadd.s32 $0xFFFFFFFF, s8;
	[sflag:s9] =	ssyncadd.s32 $0xFFFF8000  }
0xc8: {  	_ =	sfence.sel $0x180000  }
0xc9: {  	[bflag:$0x0] =	sbarrier.arrive $0xFFFF  }
0xca: {  	p0 =	sne.s32 s2, $0x0;
	_ =	strace $0x90000047  }
0xcb: {  	s0 =	sadd.s32 @!p0 $0x100000, s0;
	[bflag:$0x2] =	sbarrier.arrive $0xFFFF  }
0xcc: {  	[sflag:s0] =	ssyncadd.tile.s32 @!p0 $0x1;
	_ =	shalt  }
.Lfunc_end2:
_tile_overlayer_lowered:
.L_overlay_start_2:
0xcd: {  	(tag) =	ssettag $0x2  }
0xce: {  	s0 =	rddreg [dreg:$0x0];
	s2 =	stileid.u32  }
0xcf: {  	s1 =	rddreg [dreg:$0x1];
	p0 =	sne.s32 s2, $0x0  }
0xd0: {  	s3 =	rddreg [dreg:$0x2];
	[bflag:$0x3] =	sbarrier.arrive $0xFFFF;
	s2 =	simm.s32 @!p0 $0x1C02  }
0xd1: {  	[timem:s3], [sflag:s2] =	dma.local @!p0 [hbm:s0], s1  }
0xd2: {  	s0 =	simm.s32 @!p0 $0x2  }
0xd3: {  	_ =	swait.ge @!p0 [sflag:s0], s1  }
0xd4: {  	s1 =	ssub.s32 @!p0 $0x0, s1;
	[sflag:s0] =	ssyncset.done @!p0 $0x0  }
0xd5: {  	[sflag:s0] =	ssyncadd.s32 @!p0 s1  }
0xd6: {  	[bflag:$0x3] =	sbarrier.arrive $0xFFFF  }
0xd7: {  	_ =	shalt  }

</sc_bundles>
